<compile_context>
chip_gen: v7x
topology: tpu7x:2x2x1
jax: 0.10.2.dev20260603
libtpu: 0.0.44.dev20260713+nightly
codegen_flags: <defaults>
</compile_context>

<pallas_src>
import functools

import jax
import jax.numpy as jnp
from jax import lax
from jax.experimental import pallas as pl
from jax.experimental.pallas import tpu as pltpu
from jax.experimental.pallas import tpu_sc as plsc

VOCAB = 30522
HIDDEN = 768
MAX_POS = 512
BATCH = 32
SEQ = 512
EPS = 1e-12

NC = 2
NS = 16
NW = NC * NS
H = 2
BCH = BATCH // H
TOKENS_CH = BCH * SEQ
TPW = TOKENS_CH // NW
CHUNK = 64
NCHUNK = TPW // CHUNK


def _make_gather(tpw):
    nchunk = tpw // CHUNK

    def _gather_body(table_hbm, idx_hbm, out_hbm, idx_v, buf0, buf1, sem0, sem1):
        wid = lax.axis_index("s") * NC + lax.axis_index("c")
        pltpu.sync_copy(idx_hbm.at[wid], idx_v)
        bufs = (buf0, buf1)
        sems = (sem0, sem1)
        copies = [None, None]
        copies[0] = pltpu.async_copy(table_hbm.at[idx_v.at[0]], bufs[0], sems[0])
        base = wid * tpw
        for c in range(nchunk):
            if c + 1 < nchunk:
                copies[(c + 1) % 2] = pltpu.async_copy(
                    table_hbm.at[idx_v.at[c + 1]], bufs[(c + 1) % 2],
                    sems[(c + 1) % 2])
            copies[c % 2].wait()
            pltpu.sync_copy(bufs[c % 2], out_hbm.at[pl.ds(base + c * CHUNK, CHUNK)])

    return functools.partial(
        pl.kernel,
        mesh=plsc.VectorSubcoreMesh(core_axis_name="c", subcore_axis_name="s"),
        out_type=jax.ShapeDtypeStruct((NW * tpw, HIDDEN), jnp.float32),
        scratch_types=[
            pltpu.VMEM((nchunk, CHUNK), jnp.int32),
            pltpu.VMEM((CHUNK, HIDDEN), jnp.float32),
            pltpu.VMEM((CHUNK, HIDDEN), jnp.float32),
            pltpu.SemaphoreType.DMA,
            pltpu.SemaphoreType.DMA,
        ],
    )(_gather_body)


_sc_gather = _make_gather(TPW)


ROWS = 4


def _ln_body(words_ref, tt_ref, pos_ref, type_ref, gamma_ref, beta_ref, *rest):
    out_ref = rest[-1]
    for r in range(ROWS):
        x = words_ref[r]
        tt = tt_ref[r, 0].astype(jnp.float32)
        t0 = type_ref[0]
        t1 = type_ref[1]
        ttb = lax.broadcast_in_dim(tt, (SEQ, HIDDEN), (0,))
        tsel = t0[None, :] + ttb * (t1 - t0)[None, :]
        x = x + pos_ref[...] + tsel
        mean = jnp.mean(x, axis=-1, keepdims=True)
        xc = x - mean
        var = jnp.mean(xc * xc, axis=-1, keepdims=True)
        inv = lax.rsqrt(var + EPS)
        out_ref[r] = (xc * inv) * gamma_ref[...] + beta_ref[...]


def _make_ln(h):
    aliased = h > 0
    in_specs = [
        pl.BlockSpec((ROWS, SEQ, HIDDEN), lambda b: (b, 0, 0)),
        pl.BlockSpec((ROWS, 1, SEQ), lambda b: (b, 0, 0)),
        pl.BlockSpec((SEQ, HIDDEN), lambda b: (0, 0)),
        pl.BlockSpec((2, HIDDEN), lambda b: (0, 0)),
        pl.BlockSpec((1, HIDDEN), lambda b: (0, 0)),
        pl.BlockSpec((1, HIDDEN), lambda b: (0, 0)),
    ]
    if aliased:
        in_specs.append(pl.BlockSpec(memory_space=pl.ANY))
    return pl.pallas_call(
        _ln_body,
        grid=(BCH // ROWS,),
        in_specs=in_specs,
        out_specs=pl.BlockSpec((ROWS, SEQ, HIDDEN),
                               lambda b, _h=h: (b + _h * (BCH // ROWS), 0, 0)),
        out_shape=jax.ShapeDtypeStruct((BATCH, SEQ, HIDDEN), jnp.float32),
        input_output_aliases={6: 0} if aliased else {},
    )


_ln_calls = [_make_ln(h) for h in range(H)]


def kernel(input_ids, token_type_ids, W_word, W_pos, W_type, gamma, beta):
    idx = input_ids.reshape(H, NW, NCHUNK, CHUNK).astype(jnp.int32)
    tt = token_type_ids.reshape(H, BCH, 1, SEQ).astype(jnp.int32)
    gamma2 = gamma.reshape(1, HIDDEN)
    beta2 = beta.reshape(1, HIDDEN)
    words = [_sc_gather(W_word, idx[h]).reshape(BCH, SEQ, HIDDEN)
             for h in range(H)]
    out = None
    for h in range(H):
        args = (words[h], tt[h], W_pos, W_type, gamma2, beta2)
        out = _ln_calls[h](*args) if out is None else _ln_calls[h](*args, out)
    return out

# --- scband reference (transcript-rebuilt; emitter-appended) ---
"""Pipeline reference for scband-embedding-layer-16518444220573 (READ-ONLY COPY).

The authoritative reference and input builder live on the scoring server;
editing this copy changes nothing except your own understanding.
"""

import jax, jax.numpy as jnp
import numpy as np

VOCAB = 30522
HIDDEN = 768
MAX_POS = 512
TYPE_VOCAB = 2
BATCH = 32
SEQ = 512
EPS = 1e-12


def setup_inputs(seed: int = 0) -> dict:
    key = jax.random.key(seed)
    k1, k2, k3, k4, k5 = jax.random.split(key, 5)
    input_ids = jax.random.randint(k1, (BATCH, SEQ), 0, VOCAB, dtype=jnp.int64 if jax.config.jax_enable_x64 else jnp.int32)
    token_type_ids = jax.random.randint(k2, (BATCH, SEQ), 0, TYPE_VOCAB, dtype=input_ids.dtype)
    W_word = jax.random.normal(k3, (VOCAB, HIDDEN), dtype=jnp.float32) * 0.02
    W_pos = jax.random.normal(k4, (MAX_POS, HIDDEN), dtype=jnp.float32) * 0.02
    W_type = jax.random.normal(k5, (TYPE_VOCAB, HIDDEN), dtype=jnp.float32) * 0.02
    gamma = jnp.ones((HIDDEN,), dtype=jnp.float32)
    beta = jnp.zeros((HIDDEN,), dtype=jnp.float32)
    return {"input_ids": input_ids, "token_type_ids": token_type_ids,
            "W_word": W_word, "W_pos": W_pos, "W_type": W_type,
            "gamma": gamma, "beta": beta}


def reference(input_ids, token_type_ids, W_word, W_pos, W_type, gamma, beta):
    num_tokens = input_ids.shape[1]
    position_ids = jnp.arange(num_tokens, dtype=input_ids.dtype)
    position_ids = jnp.broadcast_to(position_ids[None, :], input_ids.shape)
    words_embeddings = jnp.take(W_word, input_ids, axis=0)
    position_embeddings = jnp.take(W_pos, position_ids, axis=0)
    token_type_embeddings = jnp.take(W_type, token_type_ids, axis=0)
    embeddings = words_embeddings + position_embeddings + token_type_embeddings
    mean = jnp.mean(embeddings, axis=-1, keepdims=True)
    var = jnp.var(embeddings, axis=-1, keepdims=True)
    normed = (embeddings - mean) / jnp.sqrt(var + EPS)
    out = normed * gamma + beta
    # dropout is identity in eval mode
    return out

if __name__ == "__main__":
    import jax
    _d = setup_inputs()
    print(jax.jit(kernel)(*tuple(_d.values())))

</pallas_src>

<mosaic_0001>
#map = affine_map<(d0, d1) -> (0, 0)>
#map1 = affine_map<(d0, d1) -> (0, 0, 0)>
module attributes {stable_mosaic.version = 14 : i64} {
  func.func @_gather_body(%arg0: i32, %arg1: i32, %arg2: memref<30522x768xf32, #tpu.memory_space<hbm>>, %arg3: memref<32x4x64xi32, #tpu.memory_space<hbm>>, %arg4: memref<8192x768xf32, #tpu.memory_space<hbm>>, %arg5: memref<4x64xi32, #tpu.memory_space<vmem>>, %arg6: memref<64x768xf32, #tpu.memory_space<vmem>>, %arg7: memref<64x768xf32, #tpu.memory_space<vmem>>, %arg8: memref<!tpu.dma_semaphore, #tpu.memory_space<semaphore_mem>>, %arg9: memref<!tpu.dma_semaphore, #tpu.memory_space<semaphore_mem>>) attributes {dimension_semantics = [#tpu.dimension_semantics<core_parallel>, #tpu.dimension_semantics<subcore_parallel>], iteration_bounds = array<i64: 2, 16>, scalar_prefetch = 0 : i64, scratch_operands = 5 : i64, tpu.core_type = #tpu.core_type<sc_vector_subcore>, window_params = [{transform_indices = #map}, {transform_indices = #map1}, {transform_indices = #map}]} {
    %mul3A = arith.constant 2 : i32
    %mul3A_0 = arith.muli %arg1, %mul3A : i32
    %add3A = arith.addi %mul3A_0, %arg0 : i32
    "tpu.region"() ({
      %run_scoped3A = tpu.sem_alloc : memref<!tpu.dma_semaphore, #tpu.memory_space<semaphore_mem>>
      %dma_start3A_65 = arith.constant 0 : i32
      %dma_start3A_66 = arith.constant 0 : i32
      %dma_start3A_67 = tpu.memref_slice %arg3[%add3A, %dma_start3A_65, %dma_start3A_66] : memref<32x4x64xi32, #tpu.memory_space<hbm>> -> memref<1x4x64xi32, #tpu.memory_space<hbm>>
      %dma_start3A_68 = tpu.memref_squeeze %dma_start3A_67 : memref<1x4x64xi32, #tpu.memory_space<hbm>> -> memref<4x64xi32, #tpu.memory_space<hbm>>
      %dma_start3A_69 = arith.constant 0 : i32
      %dma_start3A_70 = arith.constant 0 : i32
      %dma_start3A_71 = tpu.memref_slice %arg3[%add3A, %dma_start3A_69, %dma_start3A_70] : memref<32x4x64xi32, #tpu.memory_space<hbm>> -> memref<1x4x64xi32, #tpu.memory_space<hbm>>
      %dma_start3A_72 = tpu.memref_squeeze %dma_start3A_71 : memref<1x4x64xi32, #tpu.memory_space<hbm>> -> memref<4x64xi32, #tpu.memory_space<hbm>>
      tpu.enqueue_dma source(%dma_start3A_72 : memref<4x64xi32, #tpu.memory_space<hbm>>) target(%arg5 : memref<4x64xi32, #tpu.memory_space<vmem>>) target_semaphore(%run_scoped3A : memref<!tpu.dma_semaphore, #tpu.memory_space<semaphore_mem>>)
      %dma_wait3A_73 = arith.constant 0 : i32
      %dma_wait3A_74 = arith.constant 0 : i32
      %dma_wait3A_75 = tpu.memref_slice %arg3[%add3A, %dma_wait3A_73, %dma_wait3A_74] : memref<32x4x64xi32, #tpu.memory_space<hbm>> -> memref<1x4x64xi32, #tpu.memory_space<hbm>>
      %dma_wait3A_76 = tpu.memref_squeeze %dma_wait3A_75 : memref<1x4x64xi32, #tpu.memory_space<hbm>> -> memref<4x64xi32, #tpu.memory_space<hbm>>
      %dma_wait3A_77 = arith.constant 0 : i32
      %dma_wait3A_78 = arith.constant 0 : i32
      %dma_wait3A_79 = tpu.memref_slice %arg3[%add3A, %dma_wait3A_77, %dma_wait3A_78] : memref<32x4x64xi32, #tpu.memory_space<hbm>> -> memref<1x4x64xi32, #tpu.memory_space<hbm>>
      %dma_wait3A_80 = tpu.memref_squeeze %dma_wait3A_79 : memref<1x4x64xi32, #tpu.memory_space<hbm>> -> memref<4x64xi32, #tpu.memory_space<hbm>>
      tpu.wait_dma2 semaphore(%run_scoped3A : memref<!tpu.dma_semaphore, #tpu.memory_space<semaphore_mem>>) src(%dma_wait3A_80 : memref<4x64xi32, #tpu.memory_space<hbm>>) dst(%arg5 : memref<4x64xi32, #tpu.memory_space<vmem>>)
      tpu.yield
    }) : () -> ()
    %dma_start3A = arith.constant 0 : i32
    %dma_start3A_1 = arith.constant 0 : i32
    %dma_start3A_2 = tpu.memref_slice %arg5[%dma_start3A, %dma_start3A_1] : memref<4x64xi32, #tpu.memory_space<vmem>> -> memref<1x64xi32, #tpu.memory_space<vmem>>
    %dma_start3A_3 = tpu.memref_squeeze %dma_start3A_2 : memref<1x64xi32, #tpu.memory_space<vmem>> -> memref<64xi32, #tpu.memory_space<vmem>>
    %dma_start3A_4 = arith.constant 0 : i32
    %dma_start3A_5 = arith.constant 0 : i32
    %dma_start3A_6 = tpu.memref_slice %arg2[%dma_start3A_4, %dma_start3A_5] : memref<30522x768xf32, #tpu.memory_space<hbm>> -> memref<30522x768xf32, #tpu.memory_space<hbm>>
    tpu.enqueue_indirect_dma source(%dma_start3A_6 : memref<30522x768xf32, #tpu.memory_space<hbm>>) target(%arg6 : memref<64x768xf32, #tpu.memory_space<vmem>>) offsets(%dma_start3A_3 : memref<64xi32, #tpu.memory_space<vmem>>) semaphore(%arg8 : memref<!tpu.dma_semaphore, #tpu.memory_space<semaphore_mem>>)
    %mul3A_7 = arith.constant 256 : i32
    %mul3A_8 = arith.muli %add3A, %mul3A_7 : i32
    %dma_start3A_9 = arith.constant 1 : i32
    %dma_start3A_10 = arith.constant 0 : i32
    %dma_start3A_11 = tpu.memref_slice %arg5[%dma_start3A_9, %dma_start3A_10] : memref<4x64xi32, #tpu.memory_space<vmem>> -> memref<1x64xi32, #tpu.memory_space<vmem>>
    %dma_start3A_12 = tpu.memref_squeeze %dma_start3A_11 : memref<1x64xi32, #tpu.memory_space<vmem>> -> memref<64xi32, #tpu.memory_space<vmem>>
    %dma_start3A_13 = arith.constant 0 : i32
    %dma_start3A_14 = arith.constant 0 : i32
    %dma_start3A_15 = tpu.memref_slice %arg2[%dma_start3A_13, %dma_start3A_14] : memref<30522x768xf32, #tpu.memory_space<hbm>> -> memref<30522x768xf32, #tpu.memory_space<hbm>>
    tpu.enqueue_indirect_dma source(%dma_start3A_15 : memref<30522x768xf32, #tpu.memory_space<hbm>>) target(%arg7 : memref<64x768xf32, #tpu.memory_space<vmem>>) offsets(%dma_start3A_12 : memref<64xi32, #tpu.memory_space<vmem>>) semaphore(%arg9 : memref<!tpu.dma_semaphore, #tpu.memory_space<semaphore_mem>>)
    %dma_wait3A = arith.constant 0 : i32
    %dma_wait3A_16 = arith.constant 0 : i32
    %dma_wait3A_17 = tpu.memref_slice %arg5[%dma_wait3A, %dma_wait3A_16] : memref<4x64xi32, #tpu.memory_space<vmem>> -> memref<1x64xi32, #tpu.memory_space<vmem>>
    %dma_wait3A_18 = tpu.memref_squeeze %dma_wait3A_17 : memref<1x64xi32, #tpu.memory_space<vmem>> -> memref<64xi32, #tpu.memory_space<vmem>>
    %dma_wait3A_19 = arith.constant 0 : i32
    %dma_wait3A_20 = arith.constant 0 : i32
    %dma_wait3A_21 = tpu.memref_slice %arg2[%dma_wait3A_19, %dma_wait3A_20] : memref<30522x768xf32, #tpu.memory_space<hbm>> -> memref<30522x768xf32, #tpu.memory_space<hbm>>
    tpu.wait_indirect_dma semaphore(%arg8 : memref<!tpu.dma_semaphore, #tpu.memory_space<semaphore_mem>>) src(%dma_wait3A_21 : memref<30522x768xf32, #tpu.memory_space<hbm>>) dst(%arg6 : memref<64x768xf32, #tpu.memory_space<vmem>>)
    %add3A_22 = arith.constant 0 : i32
    %add3A_23 = arith.addi %mul3A_8, %add3A_22 : i32
    "tpu.region"() ({
      %run_scoped3A = tpu.sem_alloc : memref<!tpu.dma_semaphore, #tpu.memory_space<semaphore_mem>>
      %dma_start3A_65 = arith.constant 0 : i32
      %dma_start3A_66 = tpu.memref_slice %arg4[%add3A_23, %dma_start3A_65] : memref<8192x768xf32, #tpu.memory_space<hbm>> -> memref<64x768xf32, #tpu.memory_space<hbm>>
      %dma_start3A_67 = arith.constant 0 : i32
      %dma_start3A_68 = tpu.memref_slice %arg4[%add3A_23, %dma_start3A_67] : memref<8192x768xf32, #tpu.memory_space<hbm>> -> memref<64x768xf32, #tpu.memory_space<hbm>>
      tpu.enqueue_dma source(%arg6 : memref<64x768xf32, #tpu.memory_space<vmem>>) target(%dma_start3A_68 : memref<64x768xf32, #tpu.memory_space<hbm>>) target_semaphore(%run_scoped3A : memref<!tpu.dma_semaphore, #tpu.memory_space<semaphore_mem>>)
      %dma_wait3A_69 = arith.constant 0 : i32
      %dma_wait3A_70 = tpu.memref_slice %arg4[%add3A_23, %dma_wait3A_69] : memref<8192x768xf32, #tpu.memory_space<hbm>> -> memref<64x768xf32, #tpu.memory_space<hbm>>
      %dma_wait3A_71 = arith.constant 0 : i32
      %dma_wait3A_72 = tpu.memref_slice %arg4[%add3A_23, %dma_wait3A_71] : memref<8192x768xf32, #tpu.memory_space<hbm>> -> memref<64x768xf32, #tpu.memory_space<hbm>>
      tpu.wait_dma2 semaphore(%run_scoped3A : memref<!tpu.dma_semaphore, #tpu.memory_space<semaphore_mem>>) src(%arg6 : memref<64x768xf32, #tpu.memory_space<vmem>>) dst(%dma_wait3A_72 : memref<64x768xf32, #tpu.memory_space<hbm>>)
      tpu.yield
    }) : () -> ()
    %dma_start3A_24 = arith.constant 2 : i32
    %dma_start3A_25 = arith.constant 0 : i32
    %dma_start3A_26 = tpu.memref_slice %arg5[%dma_start3A_24, %dma_start3A_25] : memref<4x64xi32, #tpu.memory_space<vmem>> -> memref<1x64xi32, #tpu.memory_space<vmem>>
    %dma_start3A_27 = tpu.memref_squeeze %dma_start3A_26 : memref<1x64xi32, #tpu.memory_space<vmem>> -> memref<64xi32, #tpu.memory_space<vmem>>
    %dma_start3A_28 = arith.constant 0 : i32
    %dma_start3A_29 = arith.constant 0 : i32
    %dma_start3A_30 = tpu.memref_slice %arg2[%dma_start3A_28, %dma_start3A_29] : memref<30522x768xf32, #tpu.memory_space<hbm>> -> memref<30522x768xf32, #tpu.memory_space<hbm>>
    tpu.enqueue_indirect_dma source(%dma_start3A_30 : memref<30522x768xf32, #tpu.memory_space<hbm>>) target(%arg6 : memref<64x768xf32, #tpu.memory_space<vmem>>) offsets(%dma_start3A_27 : memref<64xi32, #tpu.memory_space<vmem>>) semaphore(%arg8 : memref<!tpu.dma_semaphore, #tpu.memory_space<semaphore_mem>>)
    %dma_wait3A_31 = arith.constant 1 : i32
    %dma_wait3A_32 = arith.constant 0 : i32
    %dma_wait3A_33 = tpu.memref_slice %arg5[%dma_wait3A_31, %dma_wait3A_32] : memref<4x64xi32, #tpu.memory_space<vmem>> -> memref<1x64xi32, #tpu.memory_space<vmem>>
    %dma_wait3A_34 = tpu.memref_squeeze %dma_wait3A_33 : memref<1x64xi32, #tpu.memory_space<vmem>> -> memref<64xi32, #tpu.memory_space<vmem>>
    %dma_wait3A_35 = arith.constant 0 : i32
    %dma_wait3A_36 = arith.constant 0 : i32
    %dma_wait3A_37 = tpu.memref_slice %arg2[%dma_wait3A_35, %dma_wait3A_36] : memref<30522x768xf32, #tpu.memory_space<hbm>> -> memref<30522x768xf32, #tpu.memory_space<hbm>>
    tpu.wait_indirect_dma semaphore(%arg9 : memref<!tpu.dma_semaphore, #tpu.memory_space<semaphore_mem>>) src(%dma_wait3A_37 : memref<30522x768xf32, #tpu.memory_space<hbm>>) dst(%arg7 : memref<64x768xf32, #tpu.memory_space<vmem>>)
    %add3A_38 = arith.constant 64 : i32
    %add3A_39 = arith.addi %mul3A_8, %add3A_38 : i32
    "tpu.region"() ({
      %run_scoped3A = tpu.sem_alloc : memref<!tpu.dma_semaphore, #tpu.memory_space<semaphore_mem>>
      %dma_start3A_65 = arith.constant 0 : i32
      %dma_start3A_66 = tpu.memref_slice %arg4[%add3A_39, %dma_start3A_65] : memref<8192x768xf32, #tpu.memory_space<hbm>> -> memref<64x768xf32, #tpu.memory_space<hbm>>
      %dma_start3A_67 = arith.constant 0 : i32
      %dma_start3A_68 = tpu.memref_slice %arg4[%add3A_39, %dma_start3A_67] : memref<8192x768xf32, #tpu.memory_space<hbm>> -> memref<64x768xf32, #tpu.memory_space<hbm>>
      tpu.enqueue_dma source(%arg7 : memref<64x768xf32, #tpu.memory_space<vmem>>) target(%dma_start3A_68 : memref<64x768xf32, #tpu.memory_space<hbm>>) target_semaphore(%run_scoped3A : memref<!tpu.dma_semaphore, #tpu.memory_space<semaphore_mem>>)
      %dma_wait3A_69 = arith.constant 0 : i32
      %dma_wait3A_70 = tpu.memref_slice %arg4[%add3A_39, %dma_wait3A_69] : memref<8192x768xf32, #tpu.memory_space<hbm>> -> memref<64x768xf32, #tpu.memory_space<hbm>>
      %dma_wait3A_71 = arith.constant 0 : i32
      %dma_wait3A_72 = tpu.memref_slice %arg4[%add3A_39, %dma_wait3A_71] : memref<8192x768xf32, #tpu.memory_space<hbm>> -> memref<64x768xf32, #tpu.memory_space<hbm>>
      tpu.wait_dma2 semaphore(%run_scoped3A : memref<!tpu.dma_semaphore, #tpu.memory_space<semaphore_mem>>) src(%arg7 : memref<64x768xf32, #tpu.memory_space<vmem>>) dst(%dma_wait3A_72 : memref<64x768xf32, #tpu.memory_space<hbm>>)
      tpu.yield
    }) : () -> ()
    %dma_start3A_40 = arith.constant 3 : i32
    %dma_start3A_41 = arith.constant 0 : i32
    %dma_start3A_42 = tpu.memref_slice %arg5[%dma_start3A_40, %dma_start3A_41] : memref<4x64xi32, #tpu.memory_space<vmem>> -> memref<1x64xi32, #tpu.memory_space<vmem>>
    %dma_start3A_43 = tpu.memref_squeeze %dma_start3A_42 : memref<1x64xi32, #tpu.memory_space<vmem>> -> memref<64xi32, #tpu.memory_space<vmem>>
    %dma_start3A_44 = arith.constant 0 : i32
    %dma_start3A_45 = arith.constant 0 : i32
    %dma_start3A_46 = tpu.memref_slice %arg2[%dma_start3A_44, %dma_start3A_45] : memref<30522x768xf32, #tpu.memory_space<hbm>> -> memref<30522x768xf32, #tpu.memory_space<hbm>>
    tpu.enqueue_indirect_dma source(%dma_start3A_46 : memref<30522x768xf32, #tpu.memory_space<hbm>>) target(%arg7 : memref<64x768xf32, #tpu.memory_space<vmem>>) offsets(%dma_start3A_43 : memref<64xi32, #tpu.memory_space<vmem>>) semaphore(%arg9 : memref<!tpu.dma_semaphore, #tpu.memory_space<semaphore_mem>>)
    %dma_wait3A_47 = arith.constant 2 : i32
    %dma_wait3A_48 = arith.constant 0 : i32
    %dma_wait3A_49 = tpu.memref_slice %arg5[%dma_wait3A_47, %dma_wait3A_48] : memref<4x64xi32, #tpu.memory_space<vmem>> -> memref<1x64xi32, #tpu.memory_space<vmem>>
    %dma_wait3A_50 = tpu.memref_squeeze %dma_wait3A_49 : memref<1x64xi32, #tpu.memory_space<vmem>> -> memref<64xi32, #tpu.memory_space<vmem>>
    %dma_wait3A_51 = arith.constant 0 : i32
    %dma_wait3A_52 = arith.constant 0 : i32
    %dma_wait3A_53 = tpu.memref_slice %arg2[%dma_wait3A_51, %dma_wait3A_52] : memref<30522x768xf32, #tpu.memory_space<hbm>> -> memref<30522x768xf32, #tpu.memory_space<hbm>>
    tpu.wait_indirect_dma semaphore(%arg8 : memref<!tpu.dma_semaphore, #tpu.memory_space<semaphore_mem>>) src(%dma_wait3A_53 : memref<30522x768xf32, #tpu.memory_space<hbm>>) dst(%arg6 : memref<64x768xf32, #tpu.memory_space<vmem>>)
    %add3A_54 = arith.constant 128 : i32
    %add3A_55 = arith.addi %mul3A_8, %add3A_54 : i32
    "tpu.region"() ({
      %run_scoped3A = tpu.sem_alloc : memref<!tpu.dma_semaphore, #tpu.memory_space<semaphore_mem>>
      %dma_start3A_65 = arith.constant 0 : i32
      %dma_start3A_66 = tpu.memref_slice %arg4[%add3A_55, %dma_start3A_65] : memref<8192x768xf32, #tpu.memory_space<hbm>> -> memref<64x768xf32, #tpu.memory_space<hbm>>
      %dma_start3A_67 = arith.constant 0 : i32
      %dma_start3A_68 = tpu.memref_slice %arg4[%add3A_55, %dma_start3A_67] : memref<8192x768xf32, #tpu.memory_space<hbm>> -> memref<64x768xf32, #tpu.memory_space<hbm>>
      tpu.enqueue_dma source(%arg6 : memref<64x768xf32, #tpu.memory_space<vmem>>) target(%dma_start3A_68 : memref<64x768xf32, #tpu.memory_space<hbm>>) target_semaphore(%run_scoped3A : memref<!tpu.dma_semaphore, #tpu.memory_space<semaphore_mem>>)
      %dma_wait3A_69 = arith.constant 0 : i32
      %dma_wait3A_70 = tpu.memref_slice %arg4[%add3A_55, %dma_wait3A_69] : memref<8192x768xf32, #tpu.memory_space<hbm>> -> memref<64x768xf32, #tpu.memory_space<hbm>>
      %dma_wait3A_71 = arith.constant 0 : i32
      %dma_wait3A_72 = tpu.memref_slice %arg4[%add3A_55, %dma_wait3A_71] : memref<8192x768xf32, #tpu.memory_space<hbm>> -> memref<64x768xf32, #tpu.memory_space<hbm>>
      tpu.wait_dma2 semaphore(%run_scoped3A : memref<!tpu.dma_semaphore, #tpu.memory_space<semaphore_mem>>) src(%arg6 : memref<64x768xf32, #tpu.memory_space<vmem>>) dst(%dma_wait3A_72 : memref<64x768xf32, #tpu.memory_space<hbm>>)
      tpu.yield
    }) : () -> ()
    %dma_wait3A_56 = arith.constant 3 : i32
    %dma_wait3A_57 = arith.constant 0 : i32
    %dma_wait3A_58 = tpu.memref_slice %arg5[%dma_wait3A_56, %dma_wait3A_57] : memref<4x64xi32, #tpu.memory_space<vmem>> -> memref<1x64xi32, #tpu.memory_space<vmem>>
    %dma_wait3A_59 = tpu.memref_squeeze %dma_wait3A_58 : memref<1x64xi32, #tpu.memory_space<vmem>> -> memref<64xi32, #tpu.memory_space<vmem>>
    %dma_wait3A_60 = arith.constant 0 : i32
    %dma_wait3A_61 = arith.constant 0 : i32
    %dma_wait3A_62 = tpu.memref_slice %arg2[%dma_wait3A_60, %dma_wait3A_61] : memref<30522x768xf32, #tpu.memory_space<hbm>> -> memref<30522x768xf32, #tpu.memory_space<hbm>>
    tpu.wait_indirect_dma semaphore(%arg9 : memref<!tpu.dma_semaphore, #tpu.memory_space<semaphore_mem>>) src(%dma_wait3A_62 : memref<30522x768xf32, #tpu.memory_space<hbm>>) dst(%arg7 : memref<64x768xf32, #tpu.memory_space<vmem>>)
    %add3A_63 = arith.constant 192 : i32
    %add3A_64 = arith.addi %mul3A_8, %add3A_63 : i32
    "tpu.region"() ({
      %run_scoped3A = tpu.sem_alloc : memref<!tpu.dma_semaphore, #tpu.memory_space<semaphore_mem>>
      %dma_start3A_65 = arith.constant 0 : i32
      %dma_start3A_66 = tpu.memref_slice %arg4[%add3A_64, %dma_start3A_65] : memref<8192x768xf32, #tpu.memory_space<hbm>> -> memref<64x768xf32, #tpu.memory_space<hbm>>
      %dma_start3A_67 = arith.constant 0 : i32
      %dma_start3A_68 = tpu.memref_slice %arg4[%add3A_64, %dma_start3A_67] : memref<8192x768xf32, #tpu.memory_space<hbm>> -> memref<64x768xf32, #tpu.memory_space<hbm>>
      tpu.enqueue_dma source(%arg7 : memref<64x768xf32, #tpu.memory_space<vmem>>) target(%dma_start3A_68 : memref<64x768xf32, #tpu.memory_space<hbm>>) target_semaphore(%run_scoped3A : memref<!tpu.dma_semaphore, #tpu.memory_space<semaphore_mem>>)
      %dma_wait3A_69 = arith.constant 0 : i32
      %dma_wait3A_70 = tpu.memref_slice %arg4[%add3A_64, %dma_wait3A_69] : memref<8192x768xf32, #tpu.memory_space<hbm>> -> memref<64x768xf32, #tpu.memory_space<hbm>>
      %dma_wait3A_71 = arith.constant 0 : i32
      %dma_wait3A_72 = tpu.memref_slice %arg4[%add3A_64, %dma_wait3A_71] : memref<8192x768xf32, #tpu.memory_space<hbm>> -> memref<64x768xf32, #tpu.memory_space<hbm>>
      tpu.wait_dma2 semaphore(%run_scoped3A : memref<!tpu.dma_semaphore, #tpu.memory_space<semaphore_mem>>) src(%arg7 : memref<64x768xf32, #tpu.memory_space<vmem>>) dst(%dma_wait3A_72 : memref<64x768xf32, #tpu.memory_space<hbm>>)
      tpu.yield
    }) : () -> ()
    return
  }
}

#map = affine_map<(d0, d1) -> (0, 0)>
#map1 = affine_map<(d0, d1) -> (0, 0, 0)>
module attributes {stable_mosaic.version = 14 : i64} {
  func.func @_gather_body(%arg0: i32, %arg1: i32, %arg2: memref<30522x768xf32, #tpu.memory_space<hbm>>, %arg3: memref<32x4x64xi32, #tpu.memory_space<hbm>>, %arg4: memref<8192x768xf32, #tpu.memory_space<hbm>>, %arg5: memref<4x64xi32, #tpu.memory_space<vmem>>, %arg6: memref<64x768xf32, #tpu.memory_space<vmem>>, %arg7: memref<64x768xf32, #tpu.memory_space<vmem>>, %arg8: memref<!tpu.dma_semaphore, #tpu.memory_space<semaphore_mem>>, %arg9: memref<!tpu.dma_semaphore, #tpu.memory_space<semaphore_mem>>) attributes {dimension_semantics = [#tpu.dimension_semantics<core_parallel>, #tpu.dimension_semantics<subcore_parallel>], iteration_bounds = array<i64: 2, 16>, scalar_prefetch = 0 : i64, scratch_operands = 5 : i64, tpu.core_type = #tpu.core_type<sc_vector_subcore>, window_params = [{transform_indices = #map}, {transform_indices = #map1}, {transform_indices = #map}]} {
    %mul3A = arith.constant 2 : i32
    %mul3A_0 = arith.muli %arg1, %mul3A : i32
    %add3A = arith.addi %mul3A_0, %arg0 : i32
    "tpu.region"() ({
      %run_scoped3A = tpu.sem_alloc : memref<!tpu.dma_semaphore, #tpu.memory_space<semaphore_mem>>
      %dma_start3A_65 = arith.constant 0 : i32
      %dma_start3A_66 = arith.constant 0 : i32
      %dma_start3A_67 = tpu.memref_slice %arg3[%add3A, %dma_start3A_65, %dma_start3A_66] : memref<32x4x64xi32, #tpu.memory_space<hbm>> -> memref<1x4x64xi32, #tpu.memory_space<hbm>>
      %dma_start3A_68 = tpu.memref_squeeze %dma_start3A_67 : memref<1x4x64xi32, #tpu.memory_space<hbm>> -> memref<4x64xi32, #tpu.memory_space<hbm>>
      %dma_start3A_69 = arith.constant 0 : i32
      %dma_start3A_70 = arith.constant 0 : i32
      %dma_start3A_71 = tpu.memref_slice %arg3[%add3A, %dma_start3A_69, %dma_start3A_70] : memref<32x4x64xi32, #tpu.memory_space<hbm>> -> memref<1x4x64xi32, #tpu.memory_space<hbm>>
      %dma_start3A_72 = tpu.memref_squeeze %dma_start3A_71 : memref<1x4x64xi32, #tpu.memory_space<hbm>> -> memref<4x64xi32, #tpu.memory_space<hbm>>
      tpu.enqueue_dma source(%dma_start3A_72 : memref<4x64xi32, #tpu.memory_space<hbm>>) target(%arg5 : memref<4x64xi32, #tpu.memory_space<vmem>>) target_semaphore(%run_scoped3A : memref<!tpu.dma_semaphore, #tpu.memory_space<semaphore_mem>>)
      %dma_wait3A_73 = arith.constant 0 : i32
      %dma_wait3A_74 = arith.constant 0 : i32
      %dma_wait3A_75 = tpu.memref_slice %arg3[%add3A, %dma_wait3A_73, %dma_wait3A_74] : memref<32x4x64xi32, #tpu.memory_space<hbm>> -> memref<1x4x64xi32, #tpu.memory_space<hbm>>
      %dma_wait3A_76 = tpu.memref_squeeze %dma_wait3A_75 : memref<1x4x64xi32, #tpu.memory_space<hbm>> -> memref<4x64xi32, #tpu.memory_space<hbm>>
      %dma_wait3A_77 = arith.constant 0 : i32
      %dma_wait3A_78 = arith.constant 0 : i32
      %dma_wait3A_79 = tpu.memref_slice %arg3[%add3A, %dma_wait3A_77, %dma_wait3A_78] : memref<32x4x64xi32, #tpu.memory_space<hbm>> -> memref<1x4x64xi32, #tpu.memory_space<hbm>>
      %dma_wait3A_80 = tpu.memref_squeeze %dma_wait3A_79 : memref<1x4x64xi32, #tpu.memory_space<hbm>> -> memref<4x64xi32, #tpu.memory_space<hbm>>
      tpu.wait_dma2 semaphore(%run_scoped3A : memref<!tpu.dma_semaphore, #tpu.memory_space<semaphore_mem>>) src(%dma_wait3A_80 : memref<4x64xi32, #tpu.memory_space<hbm>>) dst(%arg5 : memref<4x64xi32, #tpu.memory_space<vmem>>)
      tpu.yield
    }) : () -> ()
    %dma_start3A = arith.constant 0 : i32
    %dma_start3A_1 = arith.constant 0 : i32
    %dma_start3A_2 = tpu.memref_slice %arg5[%dma_start3A, %dma_start3A_1] : memref<4x64xi32, #tpu.memory_space<vmem>> -> memref<1x64xi32, #tpu.memory_space<vmem>>
    %dma_start3A_3 = tpu.memref_squeeze %dma_start3A_2 : memref<1x64xi32, #tpu.memory_space<vmem>> -> memref<64xi32, #tpu.memory_space<vmem>>
    %dma_start3A_4 = arith.constant 0 : i32
    %dma_start3A_5 = arith.constant 0 : i32
    %dma_start3A_6 = tpu.memref_slice %arg2[%dma_start3A_4, %dma_start3A_5] : memref<30522x768xf32, #tpu.memory_space<hbm>> -> memref<30522x768xf32, #tpu.memory_space<hbm>>
    tpu.enqueue_indirect_dma source(%dma_start3A_6 : memref<30522x768xf32, #tpu.memory_space<hbm>>) target(%arg6 : memref<64x768xf32, #tpu.memory_space<vmem>>) offsets(%dma_start3A_3 : memref<64xi32, #tpu.memory_space<vmem>>) semaphore(%arg8 : memref<!tpu.dma_semaphore, #tpu.memory_space<semaphore_mem>>)
    %mul3A_7 = arith.constant 256 : i32
    %mul3A_8 = arith.muli %add3A, %mul3A_7 : i32
    %dma_start3A_9 = arith.constant 1 : i32
    %dma_start3A_10 = arith.constant 0 : i32
    %dma_start3A_11 = tpu.memref_slice %arg5[%dma_start3A_9, %dma_start3A_10] : memref<4x64xi32, #tpu.memory_space<vmem>> -> memref<1x64xi32, #tpu.memory_space<vmem>>
    %dma_start3A_12 = tpu.memref_squeeze %dma_start3A_11 : memref<1x64xi32, #tpu.memory_space<vmem>> -> memref<64xi32, #tpu.memory_space<vmem>>
    %dma_start3A_13 = arith.constant 0 : i32
    %dma_start3A_14 = arith.constant 0 : i32
    %dma_start3A_15 = tpu.memref_slice %arg2[%dma_start3A_13, %dma_start3A_14] : memref<30522x768xf32, #tpu.memory_space<hbm>> -> memref<30522x768xf32, #tpu.memory_space<hbm>>
    tpu.enqueue_indirect_dma source(%dma_start3A_15 : memref<30522x768xf32, #tpu.memory_space<hbm>>) target(%arg7 : memref<64x768xf32, #tpu.memory_space<vmem>>) offsets(%dma_start3A_12 : memref<64xi32, #tpu.memory_space<vmem>>) semaphore(%arg9 : memref<!tpu.dma_semaphore, #tpu.memory_space<semaphore_mem>>)
    %dma_wait3A = arith.constant 0 : i32
    %dma_wait3A_16 = arith.constant 0 : i32
    %dma_wait3A_17 = tpu.memref_slice %arg5[%dma_wait3A, %dma_wait3A_16] : memref<4x64xi32, #tpu.memory_space<vmem>> -> memref<1x64xi32, #tpu.memory_space<vmem>>
    %dma_wait3A_18 = tpu.memref_squeeze %dma_wait3A_17 : memref<1x64xi32, #tpu.memory_space<vmem>> -> memref<64xi32, #tpu.memory_space<vmem>>
    %dma_wait3A_19 = arith.constant 0 : i32
    %dma_wait3A_20 = arith.constant 0 : i32
    %dma_wait3A_21 = tpu.memref_slice %arg2[%dma_wait3A_19, %dma_wait3A_20] : memref<30522x768xf32, #tpu.memory_space<hbm>> -> memref<30522x768xf32, #tpu.memory_space<hbm>>
    tpu.wait_indirect_dma semaphore(%arg8 : memref<!tpu.dma_semaphore, #tpu.memory_space<semaphore_mem>>) src(%dma_wait3A_21 : memref<30522x768xf32, #tpu.memory_space<hbm>>) dst(%arg6 : memref<64x768xf32, #tpu.memory_space<vmem>>)
    %add3A_22 = arith.constant 0 : i32
    %add3A_23 = arith.addi %mul3A_8, %add3A_22 : i32
    "tpu.region"() ({
      %run_scoped3A = tpu.sem_alloc : memref<!tpu.dma_semaphore, #tpu.memory_space<semaphore_mem>>
      %dma_start3A_65 = arith.constant 0 : i32
      %dma_start3A_66 = tpu.memref_slice %arg4[%add3A_23, %dma_start3A_65] : memref<8192x768xf32, #tpu.memory_space<hbm>> -> memref<64x768xf32, #tpu.memory_space<hbm>>
      %dma_start3A_67 = arith.constant 0 : i32
      %dma_start3A_68 = tpu.memref_slice %arg4[%add3A_23, %dma_start3A_67] : memref<8192x768xf32, #tpu.memory_space<hbm>> -> memref<64x768xf32, #tpu.memory_space<hbm>>
      tpu.enqueue_dma source(%arg6 : memref<64x768xf32, #tpu.memory_space<vmem>>) target(%dma_start3A_68 : memref<64x768xf32, #tpu.memory_space<hbm>>) target_semaphore(%run_scoped3A : memref<!tpu.dma_semaphore, #tpu.memory_space<semaphore_mem>>)
      %dma_wait3A_69 = arith.constant 0 : i32
      %dma_wait3A_70 = tpu.memref_slice %arg4[%add3A_23, %dma_wait3A_69] : memref<8192x768xf32, #tpu.memory_space<hbm>> -> memref<64x768xf32, #tpu.memory_space<hbm>>
      %dma_wait3A_71 = arith.constant 0 : i32
      %dma_wait3A_72 = tpu.memref_slice %arg4[%add3A_23, %dma_wait3A_71] : memref<8192x768xf32, #tpu.memory_space<hbm>> -> memref<64x768xf32, #tpu.memory_space<hbm>>
      tpu.wait_dma2 semaphore(%run_scoped3A : memref<!tpu.dma_semaphore, #tpu.memory_space<semaphore_mem>>) src(%arg6 : memref<64x768xf32, #tpu.memory_space<vmem>>) dst(%dma_wait3A_72 : memref<64x768xf32, #tpu.memory_space<hbm>>)
      tpu.yield
    }) : () -> ()
    %dma_start3A_24 = arith.constant 2 : i32
    %dma_start3A_25 = arith.constant 0 : i32
    %dma_start3A_26 = tpu.memref_slice %arg5[%dma_start3A_24, %dma_start3A_25] : memref<4x64xi32, #tpu.memory_space<vmem>> -> memref<1x64xi32, #tpu.memory_space<vmem>>
    %dma_start3A_27 = tpu.memref_squeeze %dma_start3A_26 : memref<1x64xi32, #tpu.memory_space<vmem>> -> memref<64xi32, #tpu.memory_space<vmem>>
    %dma_start3A_28 = arith.constant 0 : i32
    %dma_start3A_29 = arith.constant 0 : i32
    %dma_start3A_30 = tpu.memref_slice %arg2[%dma_start3A_28, %dma_start3A_29] : memref<30522x768xf32, #tpu.memory_space<hbm>> -> memref<30522x768xf32, #tpu.memory_space<hbm>>
    tpu.enqueue_indirect_dma source(%dma_start3A_30 : memref<30522x768xf32, #tpu.memory_space<hbm>>) target(%arg6 : memref<64x768xf32, #tpu.memory_space<vmem>>) offsets(%dma_start3A_27 : memref<64xi32, #tpu.memory_space<vmem>>) semaphore(%arg8 : memref<!tpu.dma_semaphore, #tpu.memory_space<semaphore_mem>>)
    %dma_wait3A_31 = arith.constant 1 : i32
    %dma_wait3A_32 = arith.constant 0 : i32
    %dma_wait3A_33 = tpu.memref_slice %arg5[%dma_wait3A_31, %dma_wait3A_32] : memref<4x64xi32, #tpu.memory_space<vmem>> -> memref<1x64xi32, #tpu.memory_space<vmem>>
    %dma_wait3A_34 = tpu.memref_squeeze %dma_wait3A_33 : memref<1x64xi32, #tpu.memory_space<vmem>> -> memref<64xi32, #tpu.memory_space<vmem>>
    %dma_wait3A_35 = arith.constant 0 : i32
    %dma_wait3A_36 = arith.constant 0 : i32
    %dma_wait3A_37 = tpu.memref_slice %arg2[%dma_wait3A_35, %dma_wait3A_36] : memref<30522x768xf32, #tpu.memory_space<hbm>> -> memref<30522x768xf32, #tpu.memory_space<hbm>>
    tpu.wait_indirect_dma semaphore(%arg9 : memref<!tpu.dma_semaphore, #tpu.memory_space<semaphore_mem>>) src(%dma_wait3A_37 : memref<30522x768xf32, #tpu.memory_space<hbm>>) dst(%arg7 : memref<64x768xf32, #tpu.memory_space<vmem>>)
    %add3A_38 = arith.constant 64 : i32
    %add3A_39 = arith.addi %mul3A_8, %add3A_38 : i32
    "tpu.region"() ({
      %run_scoped3A = tpu.sem_alloc : memref<!tpu.dma_semaphore, #tpu.memory_space<semaphore_mem>>
      %dma_start3A_65 = arith.constant 0 : i32
      %dma_start3A_66 = tpu.memref_slice %arg4[%add3A_39, %dma_start3A_65] : memref<8192x768xf32, #tpu.memory_space<hbm>> -> memref<64x768xf32, #tpu.memory_space<hbm>>
      %dma_start3A_67 = arith.constant 0 : i32
      %dma_start3A_68 = tpu.memref_slice %arg4[%add3A_39, %dma_start3A_67] : memref<8192x768xf32, #tpu.memory_space<hbm>> -> memref<64x768xf32, #tpu.memory_space<hbm>>
      tpu.enqueue_dma source(%arg7 : memref<64x768xf32, #tpu.memory_space<vmem>>) target(%dma_start3A_68 : memref<64x768xf32, #tpu.memory_space<hbm>>) target_semaphore(%run_scoped3A : memref<!tpu.dma_semaphore, #tpu.memory_space<semaphore_mem>>)
      %dma_wait3A_69 = arith.constant 0 : i32
      %dma_wait3A_70 = tpu.memref_slice %arg4[%add3A_39, %dma_wait3A_69] : memref<8192x768xf32, #tpu.memory_space<hbm>> -> memref<64x768xf32, #tpu.memory_space<hbm>>
      %dma_wait3A_71 = arith.constant 0 : i32
      %dma_wait3A_72 = tpu.memref_slice %arg4[%add3A_39, %dma_wait3A_71] : memref<8192x768xf32, #tpu.memory_space<hbm>> -> memref<64x768xf32, #tpu.memory_space<hbm>>
      tpu.wait_dma2 semaphore(%run_scoped3A : memref<!tpu.dma_semaphore, #tpu.memory_space<semaphore_mem>>) src(%arg7 : memref<64x768xf32, #tpu.memory_space<vmem>>) dst(%dma_wait3A_72 : memref<64x768xf32, #tpu.memory_space<hbm>>)
      tpu.yield
    }) : () -> ()
    %dma_start3A_40 = arith.constant 3 : i32
    %dma_start3A_41 = arith.constant 0 : i32
    %dma_start3A_42 = tpu.memref_slice %arg5[%dma_start3A_40, %dma_start3A_41] : memref<4x64xi32, #tpu.memory_space<vmem>> -> memref<1x64xi32, #tpu.memory_space<vmem>>
    %dma_start3A_43 = tpu.memref_squeeze %dma_start3A_42 : memref<1x64xi32, #tpu.memory_space<vmem>> -> memref<64xi32, #tpu.memory_space<vmem>>
    %dma_start3A_44 = arith.constant 0 : i32
    %dma_start3A_45 = arith.constant 0 : i32
    %dma_start3A_46 = tpu.memref_slice %arg2[%dma_start3A_44, %dma_start3A_45] : memref<30522x768xf32, #tpu.memory_space<hbm>> -> memref<30522x768xf32, #tpu.memory_space<hbm>>
    tpu.enqueue_indirect_dma source(%dma_start3A_46 : memref<30522x768xf32, #tpu.memory_space<hbm>>) target(%arg7 : memref<64x768xf32, #tpu.memory_space<vmem>>) offsets(%dma_start3A_43 : memref<64xi32, #tpu.memory_space<vmem>>) semaphore(%arg9 : memref<!tpu.dma_semaphore, #tpu.memory_space<semaphore_mem>>)
    %dma_wait3A_47 = arith.constant 2 : i32
    %dma_wait3A_48 = arith.constant 0 : i32
    %dma_wait3A_49 = tpu.memref_slice %arg5[%dma_wait3A_47, %dma_wait3A_48] : memref<4x64xi32, #tpu.memory_space<vmem>> -> memref<1x64xi32, #tpu.memory_space<vmem>>
    %dma_wait3A_50 = tpu.memref_squeeze %dma_wait3A_49 : memref<1x64xi32, #tpu.memory_space<vmem>> -> memref<64xi32, #tpu.memory_space<vmem>>
    %dma_wait3A_51 = arith.constant 0 : i32
    %dma_wait3A_52 = arith.constant 0 : i32
    %dma_wait3A_53 = tpu.memref_slice %arg2[%dma_wait3A_51, %dma_wait3A_52] : memref<30522x768xf32, #tpu.memory_space<hbm>> -> memref<30522x768xf32, #tpu.memory_space<hbm>>
    tpu.wait_indirect_dma semaphore(%arg8 : memref<!tpu.dma_semaphore, #tpu.memory_space<semaphore_mem>>) src(%dma_wait3A_53 : memref<30522x768xf32, #tpu.memory_space<hbm>>) dst(%arg6 : memref<64x768xf32, #tpu.memory_space<vmem>>)
    %add3A_54 = arith.constant 128 : i32
    %add3A_55 = arith.addi %mul3A_8, %add3A_54 : i32
    "tpu.region"() ({
      %run_scoped3A = tpu.sem_alloc : memref<!tpu.dma_semaphore, #tpu.memory_space<semaphore_mem>>
      %dma_start3A_65 = arith.constant 0 : i32
      %dma_start3A_66 = tpu.memref_slice %arg4[%add3A_55, %dma_start3A_65] : memref<8192x768xf32, #tpu.memory_space<hbm>> -> memref<64x768xf32, #tpu.memory_space<hbm>>
      %dma_start3A_67 = arith.constant 0 : i32
      %dma_start3A_68 = tpu.memref_slice %arg4[%add3A_55, %dma_start3A_67] : memref<8192x768xf32, #tpu.memory_space<hbm>> -> memref<64x768xf32, #tpu.memory_space<hbm>>
      tpu.enqueue_dma source(%arg6 : memref<64x768xf32, #tpu.memory_space<vmem>>) target(%dma_start3A_68 : memref<64x768xf32, #tpu.memory_space<hbm>>) target_semaphore(%run_scoped3A : memref<!tpu.dma_semaphore, #tpu.memory_space<semaphore_mem>>)
      %dma_wait3A_69 = arith.constant 0 : i32
      %dma_wait3A_70 = tpu.memref_slice %arg4[%add3A_55, %dma_wait3A_69] : memref<8192x768xf32, #tpu.memory_space<hbm>> -> memref<64x768xf32, #tpu.memory_space<hbm>>
      %dma_wait3A_71 = arith.constant 0 : i32
      %dma_wait3A_72 = tpu.memref_slice %arg4[%add3A_55, %dma_wait3A_71] : memref<8192x768xf32, #tpu.memory_space<hbm>> -> memref<64x768xf32, #tpu.memory_space<hbm>>
      tpu.wait_dma2 semaphore(%run_scoped3A : memref<!tpu.dma_semaphore, #tpu.memory_space<semaphore_mem>>) src(%arg6 : memref<64x768xf32, #tpu.memory_space<vmem>>) dst(%dma_wait3A_72 : memref<64x768xf32, #tpu.memory_space<hbm>>)
      tpu.yield
    }) : () -> ()
    %dma_wait3A_56 = arith.constant 3 : i32
    %dma_wait3A_57 = arith.constant 0 : i32
    %dma_wait3A_58 = tpu.memref_slice %arg5[%dma_wait3A_56, %dma_wait3A_57] : memref<4x64xi32, #tpu.memory_space<vmem>> -> memref<1x64xi32, #tpu.memory_space<vmem>>
    %dma_wait3A_59 = tpu.memref_squeeze %dma_wait3A_58 : memref<1x64xi32, #tpu.memory_space<vmem>> -> memref<64xi32, #tpu.memory_space<vmem>>
    %dma_wait3A_60 = arith.constant 0 : i32
    %dma_wait3A_61 = arith.constant 0 : i32
    %dma_wait3A_62 = tpu.memref_slice %arg2[%dma_wait3A_60, %dma_wait3A_61] : memref<30522x768xf32, #tpu.memory_space<hbm>> -> memref<30522x768xf32, #tpu.memory_space<hbm>>
    tpu.wait_indirect_dma semaphore(%arg9 : memref<!tpu.dma_semaphore, #tpu.memory_space<semaphore_mem>>) src(%dma_wait3A_62 : memref<30522x768xf32, #tpu.memory_space<hbm>>) dst(%arg7 : memref<64x768xf32, #tpu.memory_space<vmem>>)
    %add3A_63 = arith.constant 192 : i32
    %add3A_64 = arith.addi %mul3A_8, %add3A_63 : i32
    "tpu.region"() ({
      %run_scoped3A = tpu.sem_alloc : memref<!tpu.dma_semaphore, #tpu.memory_space<semaphore_mem>>
      %dma_start3A_65 = arith.constant 0 : i32
      %dma_start3A_66 = tpu.memref_slice %arg4[%add3A_64, %dma_start3A_65] : memref<8192x768xf32, #tpu.memory_space<hbm>> -> memref<64x768xf32, #tpu.memory_space<hbm>>
      %dma_start3A_67 = arith.constant 0 : i32
      %dma_start3A_68 = tpu.memref_slice %arg4[%add3A_64, %dma_start3A_67] : memref<8192x768xf32, #tpu.memory_space<hbm>> -> memref<64x768xf32, #tpu.memory_space<hbm>>
      tpu.enqueue_dma source(%arg7 : memref<64x768xf32, #tpu.memory_space<vmem>>) target(%dma_start3A_68 : memref<64x768xf32, #tpu.memory_space<hbm>>) target_semaphore(%run_scoped3A : memref<!tpu.dma_semaphore, #tpu.memory_space<semaphore_mem>>)
      %dma_wait3A_69 = arith.constant 0 : i32
      %dma_wait3A_70 = tpu.memref_slice %arg4[%add3A_64, %dma_wait3A_69] : memref<8192x768xf32, #tpu.memory_space<hbm>> -> memref<64x768xf32, #tpu.memory_space<hbm>>
      %dma_wait3A_71 = arith.constant 0 : i32
      %dma_wait3A_72 = tpu.memref_slice %arg4[%add3A_64, %dma_wait3A_71] : memref<8192x768xf32, #tpu.memory_space<hbm>> -> memref<64x768xf32, #tpu.memory_space<hbm>>
      tpu.wait_dma2 semaphore(%run_scoped3A : memref<!tpu.dma_semaphore, #tpu.memory_space<semaphore_mem>>) src(%arg7 : memref<64x768xf32, #tpu.memory_space<vmem>>) dst(%dma_wait3A_72 : memref<64x768xf32, #tpu.memory_space<hbm>>)
      tpu.yield
    }) : () -> ()
    return
  }
}

module attributes {stable_mosaic.version = 14 : i64} {
  func.func @_ln_body(%arg0: i32, %arg1: memref<4x512x768xf32, #tpu.memory_space<vmem>>, %arg2: memref<4x1x512xi32, #tpu.memory_space<vmem>>, %arg3: memref<512x768xf32, #tpu.memory_space<vmem>>, %arg4: memref<2x768xf32, #tpu.memory_space<vmem>>, %arg5: memref<1x768xf32, #tpu.memory_space<vmem>>, %arg6: memref<1x768xf32, #tpu.memory_space<vmem>>, %arg7: memref<32x512x768xf32, #tpu.memory_space<any>>, %arg8: memref<4x512x768xf32, #tpu.memory_space<vmem>>) attributes {dimension_semantics = [#tpu.dimension_semantics<arbitrary>], iteration_bounds = array<i64: 4>, scalar_prefetch = 0 : i64, scratch_operands = 0 : i64, tpu.core_type = #tpu.core_type<tc>, window_params = [{transform_indices = @transform_0, window_bounds = array<i64: 4, 512, 768>}, {transform_indices = @transform_1, window_bounds = array<i64: 4, 1, 512>}, {pipeline_mode = #tpu.pipeline_mode<synchronous>, transform_indices = @transform_2, window_bounds = array<i64: 512, 768>}, {pipeline_mode = #tpu.pipeline_mode<synchronous>, transform_indices = @transform_3, window_bounds = array<i64: 2, 768>}, {pipeline_mode = #tpu.pipeline_mode<synchronous>, transform_indices = @transform_4, window_bounds = array<i64: 1, 768>}, {pipeline_mode = #tpu.pipeline_mode<synchronous>, transform_indices = @transform_5, window_bounds = array<i64: 1, 768>}, {}, {transform_indices = @transform_7, window_bounds = array<i64: 4, 512, 768>}]} {
    %get3A = arith.constant 0 : index
    %get3A_0 = arith.constant 0 : index
    %get3A_1 = arith.constant 0 : index
    %get3A_2 = vector.load %arg1[%get3A, %get3A_0, %get3A_1] : memref<4x512x768xf32, #tpu.memory_space<vmem>>, vector<1x512x768xf32>
    %get3A_3 = vector.shape_cast %get3A_2 : vector<1x512x768xf32> to vector<512x768xf32>
    %get3A_4 = arith.constant 0 : index
    %get3A_5 = arith.constant 0 : index
    %get3A_6 = arith.constant 0 : index
    %get3A_7 = vector.load %arg2[%get3A_4, %get3A_5, %get3A_6] : memref<4x1x512xi32, #tpu.memory_space<vmem>>, vector<1x1x512xi32>
    %get3A_8 = vector.shape_cast %get3A_7 : vector<1x1x512xi32> to vector<512xi32>
    %convert_element_type3A = arith.sitofp %get3A_8 : vector<512xi32> to vector<512xf32>
    %get3A_9 = arith.constant 0 : index
    %get3A_10 = arith.constant 0 : index
    %get3A_11 = vector.load %arg4[%get3A_9, %get3A_10] : memref<2x768xf32, #tpu.memory_space<vmem>>, vector<1x768xf32>
    %get3A_12 = vector.shape_cast %get3A_11 : vector<1x768xf32> to vector<768xf32>
    %get3A_13 = arith.constant 1 : index
    %get3A_14 = arith.constant 0 : index
    %get3A_15 = vector.load %arg4[%get3A_13, %get3A_14] : memref<2x768xf32, #tpu.memory_space<vmem>>, vector<1x768xf32>
    %get3A_16 = vector.shape_cast %get3A_15 : vector<1x768xf32> to vector<768xf32>
    %broadcast_in_dim3A = vector.shape_cast %convert_element_type3A : vector<512xf32> to vector<512x1xf32>
    %broadcast_in_dim3A_17 = vector.broadcast %broadcast_in_dim3A : vector<512x1xf32> to vector<512x768xf32>
    %broadcast_in_dim3A_18 = vector.shape_cast %get3A_12 : vector<768xf32> to vector<1x768xf32>
    %sub3A = arith.subf %get3A_16, %get3A_12 : vector<768xf32>
    %broadcast_in_dim3A_19 = vector.shape_cast %sub3A : vector<768xf32> to vector<1x768xf32>
    %mul3A = vector.broadcast %broadcast_in_dim3A_19 : vector<1x768xf32> to vector<512x768xf32>
    %mul3A_20 = arith.mulf %broadcast_in_dim3A_17, %mul3A : vector<512x768xf32>
    %add3A = vector.broadcast %broadcast_in_dim3A_18 : vector<1x768xf32> to vector<512x768xf32>
    %add3A_21 = arith.addf %add3A, %mul3A_20 : vector<512x768xf32>
    %get3A_22 = arith.constant 0 : index
    %get3A_23 = arith.constant 0 : index
    %get3A_24 = vector.load %arg3[%get3A_22, %get3A_23] : memref<512x768xf32, #tpu.memory_space<vmem>>, vector<512x768xf32>
    %add3A_25 = arith.addf %get3A_3, %get3A_24 : vector<512x768xf32>
    %add3A_26 = arith.addf %add3A_25, %add3A_21 : vector<512x768xf32>
    %reduce_sum3A = arith.constant dense<0.000000e+00> : vector<512xf32>
    %reduce_sum3A_27 = vector.multi_reduction <add>, %add3A_26, %reduce_sum3A [1] : vector<512x768xf32> to vector<512xf32>
    %broadcast_in_dim3A_28 = vector.shape_cast %reduce_sum3A_27 : vector<512xf32> to vector<512x1xf32>
    %div3A = arith.constant 7.680000e+02 : f32
    %div3A_29 = vector.broadcast %div3A : f32 to vector<512x1xf32>
    %div3A_30 = arith.divf %broadcast_in_dim3A_28, %div3A_29 : vector<512x1xf32>
    %sub3A_31 = vector.broadcast %div3A_30 : vector<512x1xf32> to vector<512x768xf32>
    %sub3A_32 = arith.subf %add3A_26, %sub3A_31 : vector<512x768xf32>
    %mul3A_33 = arith.mulf %sub3A_32, %sub3A_32 : vector<512x768xf32>
    %reduce_sum3A_34 = arith.constant dense<0.000000e+00> : vector<512xf32>
    %reduce_sum3A_35 = vector.multi_reduction <add>, %mul3A_33, %reduce_sum3A_34 [1] : vector<512x768xf32> to vector<512xf32>
    %broadcast_in_dim3A_36 = vector.shape_cast %reduce_sum3A_35 : vector<512xf32> to vector<512x1xf32>
    %div3A_37 = arith.constant 7.680000e+02 : f32
    %div3A_38 = vector.broadcast %div3A_37 : f32 to vector<512x1xf32>
    %div3A_39 = arith.divf %broadcast_in_dim3A_36, %div3A_38 : vector<512x1xf32>
    %add3A_40 = arith.constant 9.99999996E-13 : f32
    %add3A_41 = vector.broadcast %add3A_40 : f32 to vector<512x1xf32>
    %add3A_42 = arith.addf %div3A_39, %add3A_41 : vector<512x1xf32>
    %rsqrt3A = math.rsqrt %add3A_42 : vector<512x1xf32>
    %mul3A_43 = vector.broadcast %rsqrt3A : vector<512x1xf32> to vector<512x768xf32>
    %mul3A_44 = arith.mulf %sub3A_32, %mul3A_43 : vector<512x768xf32>
    %get3A_45 = arith.constant 0 : index
    %get3A_46 = arith.constant 0 : index
    %get3A_47 = vector.load %arg5[%get3A_45, %get3A_46] : memref<1x768xf32, #tpu.memory_space<vmem>>, vector<1x768xf32>
    %mul3A_48 = vector.broadcast %get3A_47 : vector<1x768xf32> to vector<512x768xf32>
    %mul3A_49 = arith.mulf %mul3A_44, %mul3A_48 : vector<512x768xf32>
    %get3A_50 = arith.constant 0 : index
    %get3A_51 = arith.constant 0 : index
    %get3A_52 = vector.load %arg6[%get3A_50, %get3A_51] : memref<1x768xf32, #tpu.memory_space<vmem>>, vector<1x768xf32>
    %add3A_53 = vector.broadcast %get3A_52 : vector<1x768xf32> to vector<512x768xf32>
    %add3A_54 = arith.addf %mul3A_49, %add3A_53 : vector<512x768xf32>
    %swap3A = arith.constant 0 : index
    %swap3A_55 = arith.constant 0 : index
    %swap3A_56 = arith.constant 0 : index
    %swap3A_57 = vector.load %arg8[%swap3A, %swap3A_55, %swap3A_56] : memref<4x512x768xf32, #tpu.memory_space<vmem>>, vector<1x512x768xf32>
    %swap3A_58 = vector.shape_cast %swap3A_57 : vector<1x512x768xf32> to vector<512x768xf32>
    %swap3A_59 = vector.shape_cast %add3A_54 : vector<512x768xf32> to vector<1x512x768xf32>
    tpu.vector_store %arg8[%swap3A, %swap3A_55, %swap3A_56], %swap3A_59 {strides = array<i32>} : memref<4x512x768xf32, #tpu.memory_space<vmem>>, vector<1x512x768xf32>,
    %get3A_60 = arith.constant 1 : index
    %get3A_61 = arith.constant 0 : index
    %get3A_62 = arith.constant 0 : index
    %get3A_63 = vector.load %arg1[%get3A_60, %get3A_61, %get3A_62] : memref<4x512x768xf32, #tpu.memory_space<vmem>>, vector<1x512x768xf32>
    %get3A_64 = vector.shape_cast %get3A_63 : vector<1x512x768xf32> to vector<512x768xf32>
    %get3A_65 = arith.constant 1 : index
    %get3A_66 = arith.constant 0 : index
    %get3A_67 = arith.constant 0 : index
    %get3A_68 = vector.load %arg2[%get3A_65, %get3A_66, %get3A_67] : memref<4x1x512xi32, #tpu.memory_space<vmem>>, vector<1x1x512xi32>
    %get3A_69 = vector.shape_cast %get3A_68 : vector<1x1x512xi32> to vector<512xi32>
    %convert_element_type3A_70 = arith.sitofp %get3A_69 : vector<512xi32> to vector<512xf32>
    %get3A_71 = arith.constant 0 : index
    %get3A_72 = arith.constant 0 : index
    %get3A_73 = vector.load %arg4[%get3A_71, %get3A_72] : memref<2x768xf32, #tpu.memory_space<vmem>>, vector<1x768xf32>
    %get3A_74 = vector.shape_cast %get3A_73 : vector<1x768xf32> to vector<768xf32>
    %get3A_75 = arith.constant 1 : index
    %get3A_76 = arith.constant 0 : index
    %get3A_77 = vector.load %arg4[%get3A_75, %get3A_76] : memref<2x768xf32, #tpu.memory_space<vmem>>, vector<1x768xf32>
    %get3A_78 = vector.shape_cast %get3A_77 : vector<1x768xf32> to vector<768xf32>
    %broadcast_in_dim3A_79 = vector.shape_cast %convert_element_type3A_70 : vector<512xf32> to vector<512x1xf32>
    %broadcast_in_dim3A_80 = vector.broadcast %broadcast_in_dim3A_79 : vector<512x1xf32> to vector<512x768xf32>
    %broadcast_in_dim3A_81 = vector.shape_cast %get3A_74 : vector<768xf32> to vector<1x768xf32>
    %sub3A_82 = arith.subf %get3A_78, %get3A_74 : vector<768xf32>
    %broadcast_in_dim3A_83 = vector.shape_cast %sub3A_82 : vector<768xf32> to vector<1x768xf32>
    %mul3A_84 = vector.broadcast %broadcast_in_dim3A_83 : vector<1x768xf32> to vector<512x768xf32>
    %mul3A_85 = arith.mulf %broadcast_in_dim3A_80, %mul3A_84 : vector<512x768xf32>
    %add3A_86 = vector.broadcast %broadcast_in_dim3A_81 : vector<1x768xf32> to vector<512x768xf32>
    %add3A_87 = arith.addf %add3A_86, %mul3A_85 : vector<512x768xf32>
    %get3A_88 = arith.constant 0 : index
    %get3A_89 = arith.constant 0 : index
    %get3A_90 = vector.load %arg3[%get3A_88, %get3A_89] : memref<512x768xf32, #tpu.memory_space<vmem>>, vector<512x768xf32>
    %add3A_91 = arith.addf %get3A_64, %get3A_90 : vector<512x768xf32>
    %add3A_92 = arith.addf %add3A_91, %add3A_87 : vector<512x768xf32>
    %reduce_sum3A_93 = arith.constant dense<0.000000e+00> : vector<512xf32>
    %reduce_sum3A_94 = vector.multi_reduction <add>, %add3A_92, %reduce_sum3A_93 [1] : vector<512x768xf32> to vector<512xf32>
    %broadcast_in_dim3A_95 = vector.shape_cast %reduce_sum3A_94 : vector<512xf32> to vector<512x1xf32>
    %div3A_96 = arith.constant 7.680000e+02 : f32
    %div3A_97 = vector.broadcast %div3A_96 : f32 to vector<512x1xf32>
    %div3A_98 = arith.divf %broadcast_in_dim3A_95, %div3A_97 : vector<512x1xf32>
    %sub3A_99 = vector.broadcast %div3A_98 : vector<512x1xf32> to vector<512x768xf32>
    %sub3A_100 = arith.subf %add3A_92, %sub3A_99 : vector<512x768xf32>
    %mul3A_101 = arith.mulf %sub3A_100, %sub3A_100 : vector<512x768xf32>
    %reduce_sum3A_102 = arith.constant dense<0.000000e+00> : vector<512xf32>
    %reduce_sum3A_103 = vector.multi_reduction <add>, %mul3A_101, %reduce_sum3A_102 [1] : vector<512x768xf32> to vector<512xf32>
    %broadcast_in_dim3A_104 = vector.shape_cast %reduce_sum3A_103 : vector<512xf32> to vector<512x1xf32>
    %div3A_105 = arith.constant 7.680000e+02 : f32
    %div3A_106 = vector.broadcast %div3A_105 : f32 to vector<512x1xf32>
    %div3A_107 = arith.divf %broadcast_in_dim3A_104, %div3A_106 : vector<512x1xf32>
    %add3A_108 = arith.constant 9.99999996E-13 : f32
    %add3A_109 = vector.broadcast %add3A_108 : f32 to vector<512x1xf32>
    %add3A_110 = arith.addf %div3A_107, %add3A_109 : vector<512x1xf32>
    %rsqrt3A_111 = math.rsqrt %add3A_110 : vector<512x1xf32>
    %mul3A_112 = vector.broadcast %rsqrt3A_111 : vector<512x1xf32> to vector<512x768xf32>
    %mul3A_113 = arith.mulf %sub3A_100, %mul3A_112 : vector<512x768xf32>
    %get3A_114 = arith.constant 0 : index
    %get3A_115 = arith.constant 0 : index
    %get3A_116 = vector.load %arg5[%get3A_114, %get3A_115] : memref<1x768xf32, #tpu.memory_space<vmem>>, vector<1x768xf32>
    %mul3A_117 = vector.broadcast %get3A_116 : vector<1x768xf32> to vector<512x768xf32>
    %mul3A_118 = arith.mulf %mul3A_113, %mul3A_117 : vector<512x768xf32>
    %get3A_119 = arith.constant 0 : index
    %get3A_120 = arith.constant 0 : index
    %get3A_121 = vector.load %arg6[%get3A_119, %get3A_120] : memref<1x768xf32, #tpu.memory_space<vmem>>, vector<1x768xf32>
    %add3A_122 = vector.broadcast %get3A_121 : vector<1x768xf32> to vector<512x768xf32>
    %add3A_123 = arith.addf %mul3A_118, %add3A_122 : vector<512x768xf32>
    %swap3A_124 = arith.constant 1 : index
    %swap3A_125 = arith.constant 0 : index
    %swap3A_126 = arith.constant 0 : index
    %swap3A_127 = vector.load %arg8[%swap3A_124, %swap3A_125, %swap3A_126] : memref<4x512x768xf32, #tpu.memory_space<vmem>>, vector<1x512x768xf32>
    %swap3A_128 = vector.shape_cast %swap3A_127 : vector<1x512x768xf32> to vector<512x768xf32>
    %swap3A_129 = vector.shape_cast %add3A_123 : vector<512x768xf32> to vector<1x512x768xf32>
    tpu.vector_store %arg8[%swap3A_124, %swap3A_125, %swap3A_126], %swap3A_129 {strides = array<i32>} : memref<4x512x768xf32, #tpu.memory_space<vmem>>, vector<1x512x768xf32>,
    %get3A_130 = arith.constant 2 : index
    %get3A_131 = arith.constant 0 : index
    %get3A_132 = arith.constant 0 : index
    %get3A_133 = vector.load %arg1[%get3A_130, %get3A_131, %get3A_132] : memref<4x512x768xf32, #tpu.memory_space<vmem>>, vector<1x512x768xf32>
    %get3A_134 = vector.shape_cast %get3A_133 : vector<1x512x768xf32> to vector<512x768xf32>
    %get3A_135 = arith.constant 2 : index
    %get3A_136 = arith.constant 0 : index
    %get3A_137 = arith.constant 0 : index
    %get3A_138 = vector.load %arg2[%get3A_135, %get3A_136, %get3A_137] : memref<4x1x512xi32, #tpu.memory_space<vmem>>, vector<1x1x512xi32>
    %get3A_139 = vector.shape_cast %get3A_138 : vector<1x1x512xi32> to vector<512xi32>
    %convert_element_type3A_140 = arith.sitofp %get3A_139 : vector<512xi32> to vector<512xf32>
    %get3A_141 = arith.constant 0 : index
    %get3A_142 = arith.constant 0 : index
    %get3A_143 = vector.load %arg4[%get3A_141, %get3A_142] : memref<2x768xf32, #tpu.memory_space<vmem>>, vector<1x768xf32>
    %get3A_144 = vector.shape_cast %get3A_143 : vector<1x768xf32> to vector<768xf32>
    %get3A_145 = arith.constant 1 : index
    %get3A_146 = arith.constant 0 : index
    %get3A_147 = vector.load %arg4[%get3A_145, %get3A_146] : memref<2x768xf32, #tpu.memory_space<vmem>>, vector<1x768xf32>
    %get3A_148 = vector.shape_cast %get3A_147 : vector<1x768xf32> to vector<768xf32>
    %broadcast_in_dim3A_149 = vector.shape_cast %convert_element_type3A_140 : vector<512xf32> to vector<512x1xf32>
    %broadcast_in_dim3A_150 = vector.broadcast %broadcast_in_dim3A_149 : vector<512x1xf32> to vector<512x768xf32>
    %broadcast_in_dim3A_151 = vector.shape_cast %get3A_144 : vector<768xf32> to vector<1x768xf32>
    %sub3A_152 = arith.subf %get3A_148, %get3A_144 : vector<768xf32>
    %broadcast_in_dim3A_153 = vector.shape_cast %sub3A_152 : vector<768xf32> to vector<1x768xf32>
    %mul3A_154 = vector.broadcast %broadcast_in_dim3A_153 : vector<1x768xf32> to vector<512x768xf32>
    %mul3A_155 = arith.mulf %broadcast_in_dim3A_150, %mul3A_154 : vector<512x768xf32>
    %add3A_156 = vector.broadcast %broadcast_in_dim3A_151 : vector<1x768xf32> to vector<512x768xf32>
    %add3A_157 = arith.addf %add3A_156, %mul3A_155 : vector<512x768xf32>
    %get3A_158 = arith.constant 0 : index
    %get3A_159 = arith.constant 0 : index
    %get3A_160 = vector.load %arg3[%get3A_158, %get3A_159] : memref<512x768xf32, #tpu.memory_space<vmem>>, vector<512x768xf32>
    %add3A_161 = arith.addf %get3A_134, %get3A_160 : vector<512x768xf32>
    %add3A_162 = arith.addf %add3A_161, %add3A_157 : vector<512x768xf32>
    %reduce_sum3A_163 = arith.constant dense<0.000000e+00> : vector<512xf32>
    %reduce_sum3A_164 = vector.multi_reduction <add>, %add3A_162, %reduce_sum3A_163 [1] : vector<512x768xf32> to vector<512xf32>
    %broadcast_in_dim3A_165 = vector.shape_cast %reduce_sum3A_164 : vector<512xf32> to vector<512x1xf32>
    %div3A_166 = arith.constant 7.680000e+02 : f32
    %div3A_167 = vector.broadcast %div3A_166 : f32 to vector<512x1xf32>
    %div3A_168 = arith.divf %broadcast_in_dim3A_165, %div3A_167 : vector<512x1xf32>
    %sub3A_169 = vector.broadcast %div3A_168 : vector<512x1xf32> to vector<512x768xf32>
    %sub3A_170 = arith.subf %add3A_162, %sub3A_169 : vector<512x768xf32>
    %mul3A_171 = arith.mulf %sub3A_170, %sub3A_170 : vector<512x768xf32>
    %reduce_sum3A_172 = arith.constant dense<0.000000e+00> : vector<512xf32>
    %reduce_sum3A_173 = vector.multi_reduction <add>, %mul3A_171, %reduce_sum3A_172 [1] : vector<512x768xf32> to vector<512xf32>
    %broadcast_in_dim3A_174 = vector.shape_cast %reduce_sum3A_173 : vector<512xf32> to vector<512x1xf32>
    %div3A_175 = arith.constant 7.680000e+02 : f32
    %div3A_176 = vector.broadcast %div3A_175 : f32 to vector<512x1xf32>
    %div3A_177 = arith.divf %broadcast_in_dim3A_174, %div3A_176 : vector<512x1xf32>
    %add3A_178 = arith.constant 9.99999996E-13 : f32
    %add3A_179 = vector.broadcast %add3A_178 : f32 to vector<512x1xf32>
    %add3A_180 = arith.addf %div3A_177, %add3A_179 : vector<512x1xf32>
    %rsqrt3A_181 = math.rsqrt %add3A_180 : vector<512x1xf32>
    %mul3A_182 = vector.broadcast %rsqrt3A_181 : vector<512x1xf32> to vector<512x768xf32>
    %mul3A_183 = arith.mulf %sub3A_170, %mul3A_182 : vector<512x768xf32>
    %get3A_184 = arith.constant 0 : index
    %get3A_185 = arith.constant 0 : index
    %get3A_186 = vector.load %arg5[%get3A_184, %get3A_185] : memref<1x768xf32, #tpu.memory_space<vmem>>, vector<1x768xf32>
    %mul3A_187 = vector.broadcast %get3A_186 : vector<1x768xf32> to vector<512x768xf32>
    %mul3A_188 = arith.mulf %mul3A_183, %mul3A_187 : vector<512x768xf32>
    %get3A_189 = arith.constant 0 : index
    %get3A_190 = arith.constant 0 : index
    %get3A_191 = vector.load %arg6[%get3A_189, %get3A_190] : memref<1x768xf32, #tpu.memory_space<vmem>>, vector<1x768xf32>
    %add3A_192 = vector.broadcast %get3A_191 : vector<1x768xf32> to vector<512x768xf32>
    %add3A_193 = arith.addf %mul3A_188, %add3A_192 : vector<512x768xf32>
    %swap3A_194 = arith.constant 2 : index
    %swap3A_195 = arith.constant 0 : index
    %swap3A_196 = arith.constant 0 : index
    %swap3A_197 = vector.load %arg8[%swap3A_194, %swap3A_195, %swap3A_196] : memref<4x512x768xf32, #tpu.memory_space<vmem>>, vector<1x512x768xf32>
    %swap3A_198 = vector.shape_cast %swap3A_197 : vector<1x512x768xf32> to vector<512x768xf32>
    %swap3A_199 = vector.shape_cast %add3A_193 : vector<512x768xf32> to vector<1x512x768xf32>
    tpu.vector_store %arg8[%swap3A_194, %swap3A_195, %swap3A_196], %swap3A_199 {strides = array<i32>} : memref<4x512x768xf32, #tpu.memory_space<vmem>>, vector<1x512x768xf32>,
    %get3A_200 = arith.constant 3 : index
    %get3A_201 = arith.constant 0 : index
    %get3A_202 = arith.constant 0 : index
    %get3A_203 = vector.load %arg1[%get3A_200, %get3A_201, %get3A_202] : memref<4x512x768xf32, #tpu.memory_space<vmem>>, vector<1x512x768xf32>
    %get3A_204 = vector.shape_cast %get3A_203 : vector<1x512x768xf32> to vector<512x768xf32>
    %get3A_205 = arith.constant 3 : index
    %get3A_206 = arith.constant 0 : index
    %get3A_207 = arith.constant 0 : index
    %get3A_208 = vector.load %arg2[%get3A_205, %get3A_206, %get3A_207] : memref<4x1x512xi32, #tpu.memory_space<vmem>>, vector<1x1x512xi32>
    %get3A_209 = vector.shape_cast %get3A_208 : vector<1x1x512xi32> to vector<512xi32>
    %convert_element_type3A_210 = arith.sitofp %get3A_209 : vector<512xi32> to vector<512xf32>
    %get3A_211 = arith.constant 0 : index
    %get3A_212 = arith.constant 0 : index
    %get3A_213 = vector.load %arg4[%get3A_211, %get3A_212] : memref<2x768xf32, #tpu.memory_space<vmem>>, vector<1x768xf32>
    %get3A_214 = vector.shape_cast %get3A_213 : vector<1x768xf32> to vector<768xf32>
    %get3A_215 = arith.constant 1 : index
    %get3A_216 = arith.constant 0 : index
    %get3A_217 = vector.load %arg4[%get3A_215, %get3A_216] : memref<2x768xf32, #tpu.memory_space<vmem>>, vector<1x768xf32>
    %get3A_218 = vector.shape_cast %get3A_217 : vector<1x768xf32> to vector<768xf32>
    %broadcast_in_dim3A_219 = vector.shape_cast %convert_element_type3A_210 : vector<512xf32> to vector<512x1xf32>
    %broadcast_in_dim3A_220 = vector.broadcast %broadcast_in_dim3A_219 : vector<512x1xf32> to vector<512x768xf32>
    %broadcast_in_dim3A_221 = vector.shape_cast %get3A_214 : vector<768xf32> to vector<1x768xf32>
    %sub3A_222 = arith.subf %get3A_218, %get3A_214 : vector<768xf32>
    %broadcast_in_dim3A_223 = vector.shape_cast %sub3A_222 : vector<768xf32> to vector<1x768xf32>
    %mul3A_224 = vector.broadcast %broadcast_in_dim3A_223 : vector<1x768xf32> to vector<512x768xf32>
    %mul3A_225 = arith.mulf %broadcast_in_dim3A_220, %mul3A_224 : vector<512x768xf32>
    %add3A_226 = vector.broadcast %broadcast_in_dim3A_221 : vector<1x768xf32> to vector<512x768xf32>
    %add3A_227 = arith.addf %add3A_226, %mul3A_225 : vector<512x768xf32>
    %get3A_228 = arith.constant 0 : index
    %get3A_229 = arith.constant 0 : index
    %get3A_230 = vector.load %arg3[%get3A_228, %get3A_229] : memref<512x768xf32, #tpu.memory_space<vmem>>, vector<512x768xf32>
    %add3A_231 = arith.addf %get3A_204, %get3A_230 : vector<512x768xf32>
    %add3A_232 = arith.addf %add3A_231, %add3A_227 : vector<512x768xf32>
    %reduce_sum3A_233 = arith.constant dense<0.000000e+00> : vector<512xf32>
    %reduce_sum3A_234 = vector.multi_reduction <add>, %add3A_232, %reduce_sum3A_233 [1] : vector<512x768xf32> to vector<512xf32>
    %broadcast_in_dim3A_235 = vector.shape_cast %reduce_sum3A_234 : vector<512xf32> to vector<512x1xf32>
    %div3A_236 = arith.constant 7.680000e+02 : f32
    %div3A_237 = vector.broadcast %div3A_236 : f32 to vector<512x1xf32>
    %div3A_238 = arith.divf %broadcast_in_dim3A_235, %div3A_237 : vector<512x1xf32>
    %sub3A_239 = vector.broadcast %div3A_238 : vector<512x1xf32> to vector<512x768xf32>
    %sub3A_240 = arith.subf %add3A_232, %sub3A_239 : vector<512x768xf32>
    %mul3A_241 = arith.mulf %sub3A_240, %sub3A_240 : vector<512x768xf32>
    %reduce_sum3A_242 = arith.constant dense<0.000000e+00> : vector<512xf32>
    %reduce_sum3A_243 = vector.multi_reduction <add>, %mul3A_241, %reduce_sum3A_242 [1] : vector<512x768xf32> to vector<512xf32>
    %broadcast_in_dim3A_244 = vector.shape_cast %reduce_sum3A_243 : vector<512xf32> to vector<512x1xf32>
    %div3A_245 = arith.constant 7.680000e+02 : f32
    %div3A_246 = vector.broadcast %div3A_245 : f32 to vector<512x1xf32>
    %div3A_247 = arith.divf %broadcast_in_dim3A_244, %div3A_246 : vector<512x1xf32>
    %add3A_248 = arith.constant 9.99999996E-13 : f32
    %add3A_249 = vector.broadcast %add3A_248 : f32 to vector<512x1xf32>
    %add3A_250 = arith.addf %div3A_247, %add3A_249 : vector<512x1xf32>
    %rsqrt3A_251 = math.rsqrt %add3A_250 : vector<512x1xf32>
    %mul3A_252 = vector.broadcast %rsqrt3A_251 : vector<512x1xf32> to vector<512x768xf32>
    %mul3A_253 = arith.mulf %sub3A_240, %mul3A_252 : vector<512x768xf32>
    %get3A_254 = arith.constant 0 : index
    %get3A_255 = arith.constant 0 : index
    %get3A_256 = vector.load %arg5[%get3A_254, %get3A_255] : memref<1x768xf32, #tpu.memory_space<vmem>>, vector<1x768xf32>
    %mul3A_257 = vector.broadcast %get3A_256 : vector<1x768xf32> to vector<512x768xf32>
    %mul3A_258 = arith.mulf %mul3A_253, %mul3A_257 : vector<512x768xf32>
    %get3A_259 = arith.constant 0 : index
    %get3A_260 = arith.constant 0 : index
    %get3A_261 = vector.load %arg6[%get3A_259, %get3A_260] : memref<1x768xf32, #tpu.memory_space<vmem>>, vector<1x768xf32>
    %add3A_262 = vector.broadcast %get3A_261 : vector<1x768xf32> to vector<512x768xf32>
    %add3A_263 = arith.addf %mul3A_258, %add3A_262 : vector<512x768xf32>
    %swap3A_264 = arith.constant 3 : index
    %swap3A_265 = arith.constant 0 : index
    %swap3A_266 = arith.constant 0 : index
    %swap3A_267 = vector.load %arg8[%swap3A_264, %swap3A_265, %swap3A_266] : memref<4x512x768xf32, #tpu.memory_space<vmem>>, vector<1x512x768xf32>
    %swap3A_268 = vector.shape_cast %swap3A_267 : vector<1x512x768xf32> to vector<512x768xf32>
    %swap3A_269 = vector.shape_cast %add3A_263 : vector<512x768xf32> to vector<1x512x768xf32>
    tpu.vector_store %arg8[%swap3A_264, %swap3A_265, %swap3A_266], %swap3A_269 {strides = array<i32>} : memref<4x512x768xf32, #tpu.memory_space<vmem>>, vector<1x512x768xf32>,
    return
  }
  func.func @transform_0(%arg0: i32) -> (i32, i32, i32) {
    %c0_i32 = arith.constant 0 : i32
    %c0_i32_0 = arith.constant 0 : i32
    %c0_i32_1 = arith.constant 0 : i32
    return %arg0, %c0_i32, %c0_i32_0 : i32, i32, i32
  }
  func.func @transform_1(%arg0: i32) -> (i32, i32, i32) {
    %c0_i32 = arith.constant 0 : i32
    %c0_i32_0 = arith.constant 0 : i32
    %c0_i32_1 = arith.constant 0 : i32
    return %arg0, %c0_i32, %c0_i32_0 : i32, i32, i32
  }
  func.func @transform_2(%arg0: i32) -> (i32, i32) {
    %c0_i32 = arith.constant 0 : i32
    %c0_i32_0 = arith.constant 0 : i32
    %c0_i32_1 = arith.constant 0 : i32
    return %c0_i32, %c0_i32_0 : i32, i32
  }
  func.func @transform_3(%arg0: i32) -> (i32, i32) {
    %c0_i32 = arith.constant 0 : i32
    %c0_i32_0 = arith.constant 0 : i32
    %c0_i32_1 = arith.constant 0 : i32
    return %c0_i32, %c0_i32_0 : i32, i32
  }
  func.func @transform_4(%arg0: i32) -> (i32, i32) {
    %c0_i32 = arith.constant 0 : i32
    %c0_i32_0 = arith.constant 0 : i32
    %c0_i32_1 = arith.constant 0 : i32
    return %c0_i32, %c0_i32_0 : i32, i32
  }
  func.func @transform_5(%arg0: i32) -> (i32, i32) {
    %c0_i32 = arith.constant 0 : i32
    %c0_i32_0 = arith.constant 0 : i32
    %c0_i32_1 = arith.constant 0 : i32
    return %c0_i32, %c0_i32_0 : i32, i32
  }
  func.func @transform_7(%arg0: i32) -> (i32, i32, i32) {
    %add3A = arith.constant 4 : i32
    %add3A_0 = arith.addi %arg0, %add3A : i32
    %c0_i32 = arith.constant 0 : i32
    %c0_i32_1 = arith.constant 0 : i32
    %c0_i32_2 = arith.constant 0 : i32
    return %add3A_0, %c0_i32, %c0_i32_1 : i32, i32, i32
  }
}

module attributes {stable_mosaic.version = 14 : i64} {
  func.func @_ln_body(%arg0: i32, %arg1: memref<4x512x768xf32, #tpu.memory_space<vmem>>, %arg2: memref<4x1x512xi32, #tpu.memory_space<vmem>>, %arg3: memref<512x768xf32, #tpu.memory_space<vmem>>, %arg4: memref<2x768xf32, #tpu.memory_space<vmem>>, %arg5: memref<1x768xf32, #tpu.memory_space<vmem>>, %arg6: memref<1x768xf32, #tpu.memory_space<vmem>>, %arg7: memref<4x512x768xf32, #tpu.memory_space<vmem>>) attributes {dimension_semantics = [#tpu.dimension_semantics<arbitrary>], iteration_bounds = array<i64: 4>, scalar_prefetch = 0 : i64, scratch_operands = 0 : i64, tpu.core_type = #tpu.core_type<tc>, window_params = [{transform_indices = @transform_0, window_bounds = array<i64: 4, 512, 768>}, {transform_indices = @transform_1, window_bounds = array<i64: 4, 1, 512>}, {pipeline_mode = #tpu.pipeline_mode<synchronous>, transform_indices = @transform_2, window_bounds = array<i64: 512, 768>}, {pipeline_mode = #tpu.pipeline_mode<synchronous>, transform_indices = @transform_3, window_bounds = array<i64: 2, 768>}, {pipeline_mode = #tpu.pipeline_mode<synchronous>, transform_indices = @transform_4, window_bounds = array<i64: 1, 768>}, {pipeline_mode = #tpu.pipeline_mode<synchronous>, transform_indices = @transform_5, window_bounds = array<i64: 1, 768>}, {transform_indices = @transform_6, window_bounds = array<i64: 4, 512, 768>}]} {
    %get3A = arith.constant 0 : index
    %get3A_0 = arith.constant 0 : index
    %get3A_1 = arith.constant 0 : index
    %get3A_2 = vector.load %arg1[%get3A, %get3A_0, %get3A_1] : memref<4x512x768xf32, #tpu.memory_space<vmem>>, vector<1x512x768xf32>
    %get3A_3 = vector.shape_cast %get3A_2 : vector<1x512x768xf32> to vector<512x768xf32>
    %get3A_4 = arith.constant 0 : index
    %get3A_5 = arith.constant 0 : index
    %get3A_6 = arith.constant 0 : index
    %get3A_7 = vector.load %arg2[%get3A_4, %get3A_5, %get3A_6] : memref<4x1x512xi32, #tpu.memory_space<vmem>>, vector<1x1x512xi32>
    %get3A_8 = vector.shape_cast %get3A_7 : vector<1x1x512xi32> to vector<512xi32>
    %convert_element_type3A = arith.sitofp %get3A_8 : vector<512xi32> to vector<512xf32>
    %get3A_9 = arith.constant 0 : index
    %get3A_10 = arith.constant 0 : index
    %get3A_11 = vector.load %arg4[%get3A_9, %get3A_10] : memref<2x768xf32, #tpu.memory_space<vmem>>, vector<1x768xf32>
    %get3A_12 = vector.shape_cast %get3A_11 : vector<1x768xf32> to vector<768xf32>
    %get3A_13 = arith.constant 1 : index
    %get3A_14 = arith.constant 0 : index
    %get3A_15 = vector.load %arg4[%get3A_13, %get3A_14] : memref<2x768xf32, #tpu.memory_space<vmem>>, vector<1x768xf32>
    %get3A_16 = vector.shape_cast %get3A_15 : vector<1x768xf32> to vector<768xf32>
    %broadcast_in_dim3A = vector.shape_cast %convert_element_type3A : vector<512xf32> to vector<512x1xf32>
    %broadcast_in_dim3A_17 = vector.broadcast %broadcast_in_dim3A : vector<512x1xf32> to vector<512x768xf32>
    %broadcast_in_dim3A_18 = vector.shape_cast %get3A_12 : vector<768xf32> to vector<1x768xf32>
    %sub3A = arith.subf %get3A_16, %get3A_12 : vector<768xf32>
    %broadcast_in_dim3A_19 = vector.shape_cast %sub3A : vector<768xf32> to vector<1x768xf32>
    %mul3A = vector.broadcast %broadcast_in_dim3A_19 : vector<1x768xf32> to vector<512x768xf32>
    %mul3A_20 = arith.mulf %broadcast_in_dim3A_17, %mul3A : vector<512x768xf32>
    %add3A = vector.broadcast %broadcast_in_dim3A_18 : vector<1x768xf32> to vector<512x768xf32>
    %add3A_21 = arith.addf %add3A, %mul3A_20 : vector<512x768xf32>
    %get3A_22 = arith.constant 0 : index
    %get3A_23 = arith.constant 0 : index
    %get3A_24 = vector.load %arg3[%get3A_22, %get3A_23] : memref<512x768xf32, #tpu.memory_space<vmem>>, vector<512x768xf32>
    %add3A_25 = arith.addf %get3A_3, %get3A_24 : vector<512x768xf32>
    %add3A_26 = arith.addf %add3A_25, %add3A_21 : vector<512x768xf32>
    %reduce_sum3A = arith.constant dense<0.000000e+00> : vector<512xf32>
    %reduce_sum3A_27 = vector.multi_reduction <add>, %add3A_26, %reduce_sum3A [1] : vector<512x768xf32> to vector<512xf32>
    %broadcast_in_dim3A_28 = vector.shape_cast %reduce_sum3A_27 : vector<512xf32> to vector<512x1xf32>
    %div3A = arith.constant 7.680000e+02 : f32
    %div3A_29 = vector.broadcast %div3A : f32 to vector<512x1xf32>
    %div3A_30 = arith.divf %broadcast_in_dim3A_28, %div3A_29 : vector<512x1xf32>
    %sub3A_31 = vector.broadcast %div3A_30 : vector<512x1xf32> to vector<512x768xf32>
    %sub3A_32 = arith.subf %add3A_26, %sub3A_31 : vector<512x768xf32>
    %mul3A_33 = arith.mulf %sub3A_32, %sub3A_32 : vector<512x768xf32>
    %reduce_sum3A_34 = arith.constant dense<0.000000e+00> : vector<512xf32>
    %reduce_sum3A_35 = vector.multi_reduction <add>, %mul3A_33, %reduce_sum3A_34 [1] : vector<512x768xf32> to vector<512xf32>
    %broadcast_in_dim3A_36 = vector.shape_cast %reduce_sum3A_35 : vector<512xf32> to vector<512x1xf32>
    %div3A_37 = arith.constant 7.680000e+02 : f32
    %div3A_38 = vector.broadcast %div3A_37 : f32 to vector<512x1xf32>
    %div3A_39 = arith.divf %broadcast_in_dim3A_36, %div3A_38 : vector<512x1xf32>
    %add3A_40 = arith.constant 9.99999996E-13 : f32
    %add3A_41 = vector.broadcast %add3A_40 : f32 to vector<512x1xf32>
    %add3A_42 = arith.addf %div3A_39, %add3A_41 : vector<512x1xf32>
    %rsqrt3A = math.rsqrt %add3A_42 : vector<512x1xf32>
    %mul3A_43 = vector.broadcast %rsqrt3A : vector<512x1xf32> to vector<512x768xf32>
    %mul3A_44 = arith.mulf %sub3A_32, %mul3A_43 : vector<512x768xf32>
    %get3A_45 = arith.constant 0 : index
    %get3A_46 = arith.constant 0 : index
    %get3A_47 = vector.load %arg5[%get3A_45, %get3A_46] : memref<1x768xf32, #tpu.memory_space<vmem>>, vector<1x768xf32>
    %mul3A_48 = vector.broadcast %get3A_47 : vector<1x768xf32> to vector<512x768xf32>
    %mul3A_49 = arith.mulf %mul3A_44, %mul3A_48 : vector<512x768xf32>
    %get3A_50 = arith.constant 0 : index
    %get3A_51 = arith.constant 0 : index
    %get3A_52 = vector.load %arg6[%get3A_50, %get3A_51] : memref<1x768xf32, #tpu.memory_space<vmem>>, vector<1x768xf32>
    %add3A_53 = vector.broadcast %get3A_52 : vector<1x768xf32> to vector<512x768xf32>
    %add3A_54 = arith.addf %mul3A_49, %add3A_53 : vector<512x768xf32>
    %swap3A = arith.constant 0 : index
    %swap3A_55 = arith.constant 0 : index
    %swap3A_56 = arith.constant 0 : index
    %swap3A_57 = vector.load %arg7[%swap3A, %swap3A_55, %swap3A_56] : memref<4x512x768xf32, #tpu.memory_space<vmem>>, vector<1x512x768xf32>
    %swap3A_58 = vector.shape_cast %swap3A_57 : vector<1x512x768xf32> to vector<512x768xf32>
    %swap3A_59 = vector.shape_cast %add3A_54 : vector<512x768xf32> to vector<1x512x768xf32>
    tpu.vector_store %arg7[%swap3A, %swap3A_55, %swap3A_56], %swap3A_59 {strides = array<i32>} : memref<4x512x768xf32, #tpu.memory_space<vmem>>, vector<1x512x768xf32>,
    %get3A_60 = arith.constant 1 : index
    %get3A_61 = arith.constant 0 : index
    %get3A_62 = arith.constant 0 : index
    %get3A_63 = vector.load %arg1[%get3A_60, %get3A_61, %get3A_62] : memref<4x512x768xf32, #tpu.memory_space<vmem>>, vector<1x512x768xf32>
    %get3A_64 = vector.shape_cast %get3A_63 : vector<1x512x768xf32> to vector<512x768xf32>
    %get3A_65 = arith.constant 1 : index
    %get3A_66 = arith.constant 0 : index
    %get3A_67 = arith.constant 0 : index
    %get3A_68 = vector.load %arg2[%get3A_65, %get3A_66, %get3A_67] : memref<4x1x512xi32, #tpu.memory_space<vmem>>, vector<1x1x512xi32>
    %get3A_69 = vector.shape_cast %get3A_68 : vector<1x1x512xi32> to vector<512xi32>
    %convert_element_type3A_70 = arith.sitofp %get3A_69 : vector<512xi32> to vector<512xf32>
    %get3A_71 = arith.constant 0 : index
    %get3A_72 = arith.constant 0 : index
    %get3A_73 = vector.load %arg4[%get3A_71, %get3A_72] : memref<2x768xf32, #tpu.memory_space<vmem>>, vector<1x768xf32>
    %get3A_74 = vector.shape_cast %get3A_73 : vector<1x768xf32> to vector<768xf32>
    %get3A_75 = arith.constant 1 : index
    %get3A_76 = arith.constant 0 : index
    %get3A_77 = vector.load %arg4[%get3A_75, %get3A_76] : memref<2x768xf32, #tpu.memory_space<vmem>>, vector<1x768xf32>
    %get3A_78 = vector.shape_cast %get3A_77 : vector<1x768xf32> to vector<768xf32>
    %broadcast_in_dim3A_79 = vector.shape_cast %convert_element_type3A_70 : vector<512xf32> to vector<512x1xf32>
    %broadcast_in_dim3A_80 = vector.broadcast %broadcast_in_dim3A_79 : vector<512x1xf32> to vector<512x768xf32>
    %broadcast_in_dim3A_81 = vector.shape_cast %get3A_74 : vector<768xf32> to vector<1x768xf32>
    %sub3A_82 = arith.subf %get3A_78, %get3A_74 : vector<768xf32>
    %broadcast_in_dim3A_83 = vector.shape_cast %sub3A_82 : vector<768xf32> to vector<1x768xf32>
    %mul3A_84 = vector.broadcast %broadcast_in_dim3A_83 : vector<1x768xf32> to vector<512x768xf32>
    %mul3A_85 = arith.mulf %broadcast_in_dim3A_80, %mul3A_84 : vector<512x768xf32>
    %add3A_86 = vector.broadcast %broadcast_in_dim3A_81 : vector<1x768xf32> to vector<512x768xf32>
    %add3A_87 = arith.addf %add3A_86, %mul3A_85 : vector<512x768xf32>
    %get3A_88 = arith.constant 0 : index
    %get3A_89 = arith.constant 0 : index
    %get3A_90 = vector.load %arg3[%get3A_88, %get3A_89] : memref<512x768xf32, #tpu.memory_space<vmem>>, vector<512x768xf32>
    %add3A_91 = arith.addf %get3A_64, %get3A_90 : vector<512x768xf32>
    %add3A_92 = arith.addf %add3A_91, %add3A_87 : vector<512x768xf32>
    %reduce_sum3A_93 = arith.constant dense<0.000000e+00> : vector<512xf32>
    %reduce_sum3A_94 = vector.multi_reduction <add>, %add3A_92, %reduce_sum3A_93 [1] : vector<512x768xf32> to vector<512xf32>
    %broadcast_in_dim3A_95 = vector.shape_cast %reduce_sum3A_94 : vector<512xf32> to vector<512x1xf32>
    %div3A_96 = arith.constant 7.680000e+02 : f32
    %div3A_97 = vector.broadcast %div3A_96 : f32 to vector<512x1xf32>
    %div3A_98 = arith.divf %broadcast_in_dim3A_95, %div3A_97 : vector<512x1xf32>
    %sub3A_99 = vector.broadcast %div3A_98 : vector<512x1xf32> to vector<512x768xf32>
    %sub3A_100 = arith.subf %add3A_92, %sub3A_99 : vector<512x768xf32>
    %mul3A_101 = arith.mulf %sub3A_100, %sub3A_100 : vector<512x768xf32>
    %reduce_sum3A_102 = arith.constant dense<0.000000e+00> : vector<512xf32>
    %reduce_sum3A_103 = vector.multi_reduction <add>, %mul3A_101, %reduce_sum3A_102 [1] : vector<512x768xf32> to vector<512xf32>
    %broadcast_in_dim3A_104 = vector.shape_cast %reduce_sum3A_103 : vector<512xf32> to vector<512x1xf32>
    %div3A_105 = arith.constant 7.680000e+02 : f32
    %div3A_106 = vector.broadcast %div3A_105 : f32 to vector<512x1xf32>
    %div3A_107 = arith.divf %broadcast_in_dim3A_104, %div3A_106 : vector<512x1xf32>
    %add3A_108 = arith.constant 9.99999996E-13 : f32
    %add3A_109 = vector.broadcast %add3A_108 : f32 to vector<512x1xf32>
    %add3A_110 = arith.addf %div3A_107, %add3A_109 : vector<512x1xf32>
    %rsqrt3A_111 = math.rsqrt %add3A_110 : vector<512x1xf32>
    %mul3A_112 = vector.broadcast %rsqrt3A_111 : vector<512x1xf32> to vector<512x768xf32>
    %mul3A_113 = arith.mulf %sub3A_100, %mul3A_112 : vector<512x768xf32>
    %get3A_114 = arith.constant 0 : index
    %get3A_115 = arith.constant 0 : index
    %get3A_116 = vector.load %arg5[%get3A_114, %get3A_115] : memref<1x768xf32, #tpu.memory_space<vmem>>, vector<1x768xf32>
    %mul3A_117 = vector.broadcast %get3A_116 : vector<1x768xf32> to vector<512x768xf32>
    %mul3A_118 = arith.mulf %mul3A_113, %mul3A_117 : vector<512x768xf32>
    %get3A_119 = arith.constant 0 : index
    %get3A_120 = arith.constant 0 : index
    %get3A_121 = vector.load %arg6[%get3A_119, %get3A_120] : memref<1x768xf32, #tpu.memory_space<vmem>>, vector<1x768xf32>
    %add3A_122 = vector.broadcast %get3A_121 : vector<1x768xf32> to vector<512x768xf32>
    %add3A_123 = arith.addf %mul3A_118, %add3A_122 : vector<512x768xf32>
    %swap3A_124 = arith.constant 1 : index
    %swap3A_125 = arith.constant 0 : index
    %swap3A_126 = arith.constant 0 : index
    %swap3A_127 = vector.load %arg7[%swap3A_124, %swap3A_125, %swap3A_126] : memref<4x512x768xf32, #tpu.memory_space<vmem>>, vector<1x512x768xf32>
    %swap3A_128 = vector.shape_cast %swap3A_127 : vector<1x512x768xf32> to vector<512x768xf32>
    %swap3A_129 = vector.shape_cast %add3A_123 : vector<512x768xf32> to vector<1x512x768xf32>
    tpu.vector_store %arg7[%swap3A_124, %swap3A_125, %swap3A_126], %swap3A_129 {strides = array<i32>} : memref<4x512x768xf32, #tpu.memory_space<vmem>>, vector<1x512x768xf32>,
    %get3A_130 = arith.constant 2 : index
    %get3A_131 = arith.constant 0 : index
    %get3A_132 = arith.constant 0 : index
    %get3A_133 = vector.load %arg1[%get3A_130, %get3A_131, %get3A_132] : memref<4x512x768xf32, #tpu.memory_space<vmem>>, vector<1x512x768xf32>
    %get3A_134 = vector.shape_cast %get3A_133 : vector<1x512x768xf32> to vector<512x768xf32>
    %get3A_135 = arith.constant 2 : index
    %get3A_136 = arith.constant 0 : index
    %get3A_137 = arith.constant 0 : index
    %get3A_138 = vector.load %arg2[%get3A_135, %get3A_136, %get3A_137] : memref<4x1x512xi32, #tpu.memory_space<vmem>>, vector<1x1x512xi32>
    %get3A_139 = vector.shape_cast %get3A_138 : vector<1x1x512xi32> to vector<512xi32>
    %convert_element_type3A_140 = arith.sitofp %get3A_139 : vector<512xi32> to vector<512xf32>
    %get3A_141 = arith.constant 0 : index
    %get3A_142 = arith.constant 0 : index
    %get3A_143 = vector.load %arg4[%get3A_141, %get3A_142] : memref<2x768xf32, #tpu.memory_space<vmem>>, vector<1x768xf32>
    %get3A_144 = vector.shape_cast %get3A_143 : vector<1x768xf32> to vector<768xf32>
    %get3A_145 = arith.constant 1 : index
    %get3A_146 = arith.constant 0 : index
    %get3A_147 = vector.load %arg4[%get3A_145, %get3A_146] : memref<2x768xf32, #tpu.memory_space<vmem>>, vector<1x768xf32>
    %get3A_148 = vector.shape_cast %get3A_147 : vector<1x768xf32> to vector<768xf32>
    %broadcast_in_dim3A_149 = vector.shape_cast %convert_element_type3A_140 : vector<512xf32> to vector<512x1xf32>
    %broadcast_in_dim3A_150 = vector.broadcast %broadcast_in_dim3A_149 : vector<512x1xf32> to vector<512x768xf32>
    %broadcast_in_dim3A_151 = vector.shape_cast %get3A_144 : vector<768xf32> to vector<1x768xf32>
    %sub3A_152 = arith.subf %get3A_148, %get3A_144 : vector<768xf32>
    %broadcast_in_dim3A_153 = vector.shape_cast %sub3A_152 : vector<768xf32> to vector<1x768xf32>
    %mul3A_154 = vector.broadcast %broadcast_in_dim3A_153 : vector<1x768xf32> to vector<512x768xf32>
    %mul3A_155 = arith.mulf %broadcast_in_dim3A_150, %mul3A_154 : vector<512x768xf32>
    %add3A_156 = vector.broadcast %broadcast_in_dim3A_151 : vector<1x768xf32> to vector<512x768xf32>
    %add3A_157 = arith.addf %add3A_156, %mul3A_155 : vector<512x768xf32>
    %get3A_158 = arith.constant 0 : index
    %get3A_159 = arith.constant 0 : index
    %get3A_160 = vector.load %arg3[%get3A_158, %get3A_159] : memref<512x768xf32, #tpu.memory_space<vmem>>, vector<512x768xf32>
    %add3A_161 = arith.addf %get3A_134, %get3A_160 : vector<512x768xf32>
    %add3A_162 = arith.addf %add3A_161, %add3A_157 : vector<512x768xf32>
    %reduce_sum3A_163 = arith.constant dense<0.000000e+00> : vector<512xf32>
    %reduce_sum3A_164 = vector.multi_reduction <add>, %add3A_162, %reduce_sum3A_163 [1] : vector<512x768xf32> to vector<512xf32>
    %broadcast_in_dim3A_165 = vector.shape_cast %reduce_sum3A_164 : vector<512xf32> to vector<512x1xf32>
    %div3A_166 = arith.constant 7.680000e+02 : f32
    %div3A_167 = vector.broadcast %div3A_166 : f32 to vector<512x1xf32>
    %div3A_168 = arith.divf %broadcast_in_dim3A_165, %div3A_167 : vector<512x1xf32>
    %sub3A_169 = vector.broadcast %div3A_168 : vector<512x1xf32> to vector<512x768xf32>
    %sub3A_170 = arith.subf %add3A_162, %sub3A_169 : vector<512x768xf32>
    %mul3A_171 = arith.mulf %sub3A_170, %sub3A_170 : vector<512x768xf32>
    %reduce_sum3A_172 = arith.constant dense<0.000000e+00> : vector<512xf32>
    %reduce_sum3A_173 = vector.multi_reduction <add>, %mul3A_171, %reduce_sum3A_172 [1] : vector<512x768xf32> to vector<512xf32>
    %broadcast_in_dim3A_174 = vector.shape_cast %reduce_sum3A_173 : vector<512xf32> to vector<512x1xf32>
    %div3A_175 = arith.constant 7.680000e+02 : f32
    %div3A_176 = vector.broadcast %div3A_175 : f32 to vector<512x1xf32>
    %div3A_177 = arith.divf %broadcast_in_dim3A_174, %div3A_176 : vector<512x1xf32>
    %add3A_178 = arith.constant 9.99999996E-13 : f32
    %add3A_179 = vector.broadcast %add3A_178 : f32 to vector<512x1xf32>
    %add3A_180 = arith.addf %div3A_177, %add3A_179 : vector<512x1xf32>
    %rsqrt3A_181 = math.rsqrt %add3A_180 : vector<512x1xf32>
    %mul3A_182 = vector.broadcast %rsqrt3A_181 : vector<512x1xf32> to vector<512x768xf32>
    %mul3A_183 = arith.mulf %sub3A_170, %mul3A_182 : vector<512x768xf32>
    %get3A_184 = arith.constant 0 : index
    %get3A_185 = arith.constant 0 : index
    %get3A_186 = vector.load %arg5[%get3A_184, %get3A_185] : memref<1x768xf32, #tpu.memory_space<vmem>>, vector<1x768xf32>
    %mul3A_187 = vector.broadcast %get3A_186 : vector<1x768xf32> to vector<512x768xf32>
    %mul3A_188 = arith.mulf %mul3A_183, %mul3A_187 : vector<512x768xf32>
    %get3A_189 = arith.constant 0 : index
    %get3A_190 = arith.constant 0 : index
    %get3A_191 = vector.load %arg6[%get3A_189, %get3A_190] : memref<1x768xf32, #tpu.memory_space<vmem>>, vector<1x768xf32>
    %add3A_192 = vector.broadcast %get3A_191 : vector<1x768xf32> to vector<512x768xf32>
    %add3A_193 = arith.addf %mul3A_188, %add3A_192 : vector<512x768xf32>
    %swap3A_194 = arith.constant 2 : index
    %swap3A_195 = arith.constant 0 : index
    %swap3A_196 = arith.constant 0 : index
    %swap3A_197 = vector.load %arg7[%swap3A_194, %swap3A_195, %swap3A_196] : memref<4x512x768xf32, #tpu.memory_space<vmem>>, vector<1x512x768xf32>
    %swap3A_198 = vector.shape_cast %swap3A_197 : vector<1x512x768xf32> to vector<512x768xf32>
    %swap3A_199 = vector.shape_cast %add3A_193 : vector<512x768xf32> to vector<1x512x768xf32>
    tpu.vector_store %arg7[%swap3A_194, %swap3A_195, %swap3A_196], %swap3A_199 {strides = array<i32>} : memref<4x512x768xf32, #tpu.memory_space<vmem>>, vector<1x512x768xf32>,
    %get3A_200 = arith.constant 3 : index
    %get3A_201 = arith.constant 0 : index
    %get3A_202 = arith.constant 0 : index
    %get3A_203 = vector.load %arg1[%get3A_200, %get3A_201, %get3A_202] : memref<4x512x768xf32, #tpu.memory_space<vmem>>, vector<1x512x768xf32>
    %get3A_204 = vector.shape_cast %get3A_203 : vector<1x512x768xf32> to vector<512x768xf32>
    %get3A_205 = arith.constant 3 : index
    %get3A_206 = arith.constant 0 : index
    %get3A_207 = arith.constant 0 : index
    %get3A_208 = vector.load %arg2[%get3A_205, %get3A_206, %get3A_207] : memref<4x1x512xi32, #tpu.memory_space<vmem>>, vector<1x1x512xi32>
    %get3A_209 = vector.shape_cast %get3A_208 : vector<1x1x512xi32> to vector<512xi32>
    %convert_element_type3A_210 = arith.sitofp %get3A_209 : vector<512xi32> to vector<512xf32>
    %get3A_211 = arith.constant 0 : index
    %get3A_212 = arith.constant 0 : index
    %get3A_213 = vector.load %arg4[%get3A_211, %get3A_212] : memref<2x768xf32, #tpu.memory_space<vmem>>, vector<1x768xf32>
    %get3A_214 = vector.shape_cast %get3A_213 : vector<1x768xf32> to vector<768xf32>
    %get3A_215 = arith.constant 1 : index
    %get3A_216 = arith.constant 0 : index
    %get3A_217 = vector.load %arg4[%get3A_215, %get3A_216] : memref<2x768xf32, #tpu.memory_space<vmem>>, vector<1x768xf32>
    %get3A_218 = vector.shape_cast %get3A_217 : vector<1x768xf32> to vector<768xf32>
    %broadcast_in_dim3A_219 = vector.shape_cast %convert_element_type3A_210 : vector<512xf32> to vector<512x1xf32>
    %broadcast_in_dim3A_220 = vector.broadcast %broadcast_in_dim3A_219 : vector<512x1xf32> to vector<512x768xf32>
    %broadcast_in_dim3A_221 = vector.shape_cast %get3A_214 : vector<768xf32> to vector<1x768xf32>
    %sub3A_222 = arith.subf %get3A_218, %get3A_214 : vector<768xf32>
    %broadcast_in_dim3A_223 = vector.shape_cast %sub3A_222 : vector<768xf32> to vector<1x768xf32>
    %mul3A_224 = vector.broadcast %broadcast_in_dim3A_223 : vector<1x768xf32> to vector<512x768xf32>
    %mul3A_225 = arith.mulf %broadcast_in_dim3A_220, %mul3A_224 : vector<512x768xf32>
    %add3A_226 = vector.broadcast %broadcast_in_dim3A_221 : vector<1x768xf32> to vector<512x768xf32>
    %add3A_227 = arith.addf %add3A_226, %mul3A_225 : vector<512x768xf32>
    %get3A_228 = arith.constant 0 : index
    %get3A_229 = arith.constant 0 : index
    %get3A_230 = vector.load %arg3[%get3A_228, %get3A_229] : memref<512x768xf32, #tpu.memory_space<vmem>>, vector<512x768xf32>
    %add3A_231 = arith.addf %get3A_204, %get3A_230 : vector<512x768xf32>
    %add3A_232 = arith.addf %add3A_231, %add3A_227 : vector<512x768xf32>
    %reduce_sum3A_233 = arith.constant dense<0.000000e+00> : vector<512xf32>
    %reduce_sum3A_234 = vector.multi_reduction <add>, %add3A_232, %reduce_sum3A_233 [1] : vector<512x768xf32> to vector<512xf32>
    %broadcast_in_dim3A_235 = vector.shape_cast %reduce_sum3A_234 : vector<512xf32> to vector<512x1xf32>
    %div3A_236 = arith.constant 7.680000e+02 : f32
    %div3A_237 = vector.broadcast %div3A_236 : f32 to vector<512x1xf32>
    %div3A_238 = arith.divf %broadcast_in_dim3A_235, %div3A_237 : vector<512x1xf32>
    %sub3A_239 = vector.broadcast %div3A_238 : vector<512x1xf32> to vector<512x768xf32>
    %sub3A_240 = arith.subf %add3A_232, %sub3A_239 : vector<512x768xf32>
    %mul3A_241 = arith.mulf %sub3A_240, %sub3A_240 : vector<512x768xf32>
    %reduce_sum3A_242 = arith.constant dense<0.000000e+00> : vector<512xf32>
    %reduce_sum3A_243 = vector.multi_reduction <add>, %mul3A_241, %reduce_sum3A_242 [1] : vector<512x768xf32> to vector<512xf32>
    %broadcast_in_dim3A_244 = vector.shape_cast %reduce_sum3A_243 : vector<512xf32> to vector<512x1xf32>
    %div3A_245 = arith.constant 7.680000e+02 : f32
    %div3A_246 = vector.broadcast %div3A_245 : f32 to vector<512x1xf32>
    %div3A_247 = arith.divf %broadcast_in_dim3A_244, %div3A_246 : vector<512x1xf32>
    %add3A_248 = arith.constant 9.99999996E-13 : f32
    %add3A_249 = vector.broadcast %add3A_248 : f32 to vector<512x1xf32>
    %add3A_250 = arith.addf %div3A_247, %add3A_249 : vector<512x1xf32>
    %rsqrt3A_251 = math.rsqrt %add3A_250 : vector<512x1xf32>
    %mul3A_252 = vector.broadcast %rsqrt3A_251 : vector<512x1xf32> to vector<512x768xf32>
    %mul3A_253 = arith.mulf %sub3A_240, %mul3A_252 : vector<512x768xf32>
    %get3A_254 = arith.constant 0 : index
    %get3A_255 = arith.constant 0 : index
    %get3A_256 = vector.load %arg5[%get3A_254, %get3A_255] : memref<1x768xf32, #tpu.memory_space<vmem>>, vector<1x768xf32>
    %mul3A_257 = vector.broadcast %get3A_256 : vector<1x768xf32> to vector<512x768xf32>
    %mul3A_258 = arith.mulf %mul3A_253, %mul3A_257 : vector<512x768xf32>
    %get3A_259 = arith.constant 0 : index
    %get3A_260 = arith.constant 0 : index
    %get3A_261 = vector.load %arg6[%get3A_259, %get3A_260] : memref<1x768xf32, #tpu.memory_space<vmem>>, vector<1x768xf32>
    %add3A_262 = vector.broadcast %get3A_261 : vector<1x768xf32> to vector<512x768xf32>
    %add3A_263 = arith.addf %mul3A_258, %add3A_262 : vector<512x768xf32>
    %swap3A_264 = arith.constant 3 : index
    %swap3A_265 = arith.constant 0 : index
    %swap3A_266 = arith.constant 0 : index
    %swap3A_267 = vector.load %arg7[%swap3A_264, %swap3A_265, %swap3A_266] : memref<4x512x768xf32, #tpu.memory_space<vmem>>, vector<1x512x768xf32>
    %swap3A_268 = vector.shape_cast %swap3A_267 : vector<1x512x768xf32> to vector<512x768xf32>
    %swap3A_269 = vector.shape_cast %add3A_263 : vector<512x768xf32> to vector<1x512x768xf32>
    tpu.vector_store %arg7[%swap3A_264, %swap3A_265, %swap3A_266], %swap3A_269 {strides = array<i32>} : memref<4x512x768xf32, #tpu.memory_space<vmem>>, vector<1x512x768xf32>,
    return
  }
  func.func @transform_0(%arg0: i32) -> (i32, i32, i32) {
    %c0_i32 = arith.constant 0 : i32
    %c0_i32_0 = arith.constant 0 : i32
    %c0_i32_1 = arith.constant 0 : i32
    return %arg0, %c0_i32, %c0_i32_0 : i32, i32, i32
  }
  func.func @transform_1(%arg0: i32) -> (i32, i32, i32) {
    %c0_i32 = arith.constant 0 : i32
    %c0_i32_0 = arith.constant 0 : i32
    %c0_i32_1 = arith.constant 0 : i32
    return %arg0, %c0_i32, %c0_i32_0 : i32, i32, i32
  }
  func.func @transform_2(%arg0: i32) -> (i32, i32) {
    %c0_i32 = arith.constant 0 : i32
    %c0_i32_0 = arith.constant 0 : i32
    %c0_i32_1 = arith.constant 0 : i32
    return %c0_i32, %c0_i32_0 : i32, i32
  }
  func.func @transform_3(%arg0: i32) -> (i32, i32) {
    %c0_i32 = arith.constant 0 : i32
    %c0_i32_0 = arith.constant 0 : i32
    %c0_i32_1 = arith.constant 0 : i32
    return %c0_i32, %c0_i32_0 : i32, i32
  }
  func.func @transform_4(%arg0: i32) -> (i32, i32) {
    %c0_i32 = arith.constant 0 : i32
    %c0_i32_0 = arith.constant 0 : i32
    %c0_i32_1 = arith.constant 0 : i32
    return %c0_i32, %c0_i32_0 : i32, i32
  }
  func.func @transform_5(%arg0: i32) -> (i32, i32) {
    %c0_i32 = arith.constant 0 : i32
    %c0_i32_0 = arith.constant 0 : i32
    %c0_i32_1 = arith.constant 0 : i32
    return %c0_i32, %c0_i32_0 : i32, i32
  }
  func.func @transform_6(%arg0: i32) -> (i32, i32, i32) {
    %add3A = arith.constant 0 : i32
    %add3A_0 = arith.addi %arg0, %add3A : i32
    %c0_i32 = arith.constant 0 : i32
    %c0_i32_1 = arith.constant 0 : i32
    %c0_i32_2 = arith.constant 0 : i32
    return %add3A_0, %c0_i32, %c0_i32_1 : i32, i32, i32
  }
}

</mosaic_0001>

<sc_bundles>
// kernel: kernel.6.cloned.1.call-start
scs
__scs_entry_jumppad:
0x0: {  	(pc) =	sbr.rel $0x88, $3  }
0x1: {  	(tag) =	ssettag $0x0;
	lr =	simm.s32 $0x1  }
0x2: {  	[smem:$0x3F9A] =	sst lr;
	_ =	strace $0xD0000000  }
0x3: {  	_ = 	snop  }
0x4: {  	_ = 	snop  }
0x5: {  	_ = 	snop  }
0x6: {  	_ = 	snop  }
0x7: {  	_ = 	snop  }
__scs_overlays_trampoline_lowered:
0x8: {  	[smem:$0x3FA9] =	sst s0  }
0x9: {  	[smem:$0x3FAA] =	sst s1  }
0xa: {  	[smem:$0x3FAB] =	sst s2  }
0xb: {  	[smem:$0x3FAC] =	sst s3  }
0xc: {  	[smem:$0x3FAD] =	sst s4  }
0xd: {  	[smem:$0x3FAE] =	sst s5  }
0xe: {  	[smem:$0x3FAF] =	sst s6  }
0xf: {  	[smem:$0x3FB0] =	sst s7  }
0x10: {  	[smem:$0x3FB1] =	sst s8  }
0x11: {  	[smem:$0x3FB2] =	sst s9;
	s0 =	simm.s32 @!p0 $0x0  }
0x12: {  	s1 =	sld [smem:$0x3F98];
	s0 =	simm.s32 @p0 $0x1  }
0x13: {  	[smem:$0x3FB3] =	sst s0;
	s0 =	simm.s32 @!p1 $0x0  }
0x14: {  	s2 =	sld [smem:$0x3F97];
	s0 =	simm.s32 @p1 $0x1  }
0x15: {  	[smem:$0x3FB4] =	sst s0;
	s0 =	simm.s32 @!p2 $0x0  }
0x16: {  	s3 =	sld [smem:$0x3FDB];
	s0 =	simm.s32 @p2 $0x1  }
0x17: {  	s4 =	simm.s32 $0x1BF5;
	[smem:$0x3FB6] =	sst s0  }
0x18: {  	s0 =	sld [smem:$0x3F99];
	_ =	swait.ge [sflag:s4], $0x0  }
0x19: {  	s7 =	sld [smem:$0x3F9A]  }
0x1a: {  	s8 =	sadd.s32 $0xFFFFE003, lr  }
0x1b: {  	s9 =	sadd.s32 $0xFFFFFEF7, lr;
	s5 =	simm.s32 $0xFFFFFFFF;
	p2 =	slt.u32 s8, $0xFFFFF086  }
0x1c: {  	p1 =	slt.u32 s9, $0xF7A;
	s5 =	simm.s32 @!p2 $0x0  }
0x1d: {  	s5 =	simm.s32 @p1 $0x1;
	p0 =	seq.s32 s7, s2  }
0x1e: {  	s7 =	smul.u32 @!p0 $0xF7A, s2;
	p2 =	seq.s32 @!p0 s5, $0x0  }
0x1f: {  	s9 =	smul.u32 $0xF7A, s1;
	s8 =	simm.s32 @!p0 $0x1BF5;
	p2 =	por !p2, p0  }
0x20: {  	[sflag:s8] =	ssyncset.s32 @!p0 $0xFFFFF086;
	s6 =	sadd.s32 @!p0 s3, s7;
	s7 =	simm.s32 @!p0 $0x108  }
0x21: {  	s3 =	sadd.s32 s3, s9;
	s6 =	sadd.s32 @!p0 $0x88, s6;
	s7 =	simm.s32 @p2 $0x1082  }
0x22: {  	[simem:s7], [sflag:s8] =	dma.local @!p0 [hbm:s6], $0xF7A  }
0x23: {  	s9 =	sor.u32 $0xD0000000, s2;
	s6 =	simm.s32 $0x108;
	_ =	swait.ge @!p0 [sflag:s8], $0x0  }
0x24: {  	s3 =	sadd.s32 $0x88, s3;
	s6 =	simm.s32 @!p1 $0x1082;
	[sflag:s4] =	ssyncset.s32 $0xFFFFF086  }
0x25: {  	[simem:s6], [sflag:s4] =	dma.local [hbm:s3], $0xF7A  }
0x26: {  	[smem:$0x3F9A] =	sst s1;
	(tag) =	ssettag s2;
	_ =	strace s9  }
0x27: {  	s1 =	sld [smem:$0x3FAA]  }
0x28: {  	s2 =	sld [smem:$0x3FAB]  }
0x29: {  	s4 =	sld [smem:$0x3FAD]  }
0x2a: {  	p0 =	seq.s32 s5, $0x0;
	s5 =	sld [smem:$0x3FAE]  }
0x2b: {  	s6 =	sld [smem:$0x3FAF]  }
0x2c: {  	s7 =	sld [smem:$0x3FB0]  }
0x2d: {  	s3 =	simm.s32 $0x108;
	s8 =	sld [smem:$0x3FB1]  }
0x2e: {  	s3 =	simm.s32 @!p0 $0x1082;
	s9 =	sld [smem:$0x3FB2]  }
0x2f: {  	lr =	sadd.s32 s0, s3;
	s0 =	sld [smem:$0x3FA9]  }
0x30: {  	s3 =	sld [smem:$0x3FAC]  }
0x31: {  	[smem:$0x3FB5] =	sst s10  }
0x32: {  	s10 =	sld [smem:$0x3FB3];
	_ =	sdelay $0x3  }
0x33: {  	p0 =	seq.s32 s10, $0x1;
	s10 =	sld [smem:$0x3FB5];
	_ =	sdelay $0x3  }
0x34: {  	[smem:$0x3FB5] =	sst s10  }
0x35: {  	s10 =	sld [smem:$0x3FB4];
	_ =	sdelay $0x3  }
0x36: {  	p1 =	seq.s32 s10, $0x1;
	s10 =	sld [smem:$0x3FB5];
	_ =	sdelay $0x3  }
0x37: {  	[smem:$0x3FB5] =	sst s10  }
0x38: {  	s10 =	sld [smem:$0x3FB6]  }
0x39: {  	_ = 	snop;
	(pc) =	sbr.ind lr, $3  }
0x3a: {  	_ = 	snop  }
0x3b: {  	_ = 	snop  }
0x3c: {  	p2 =	seq.s32 s10, $0x1;
	s10 =	sld [smem:$0x3FB5]  }
0x3d: {  	_ =	shalt  }
0x3e: {  	_ =	shalt  }
0x3f: {  	_ =	shalt  }
0x40: {  	_ =	shalt  }
0x41: {  	_ =	shalt  }
0x42: {  	_ =	shalt  }
0x43: {  	_ =	shalt  }
0x44: {  	_ =	shalt  }
0x45: {  	_ =	shalt  }
0x46: {  	_ =	shalt  }
0x47: {  	_ =	shalt  }
0x48: {  	_ =	shalt  }
0x49: {  	_ =	shalt  }
0x4a: {  	_ =	shalt  }
0x4b: {  	_ =	shalt  }
0x4c: {  	_ =	shalt  }
0x4d: {  	_ =	shalt  }
0x4e: {  	_ =	shalt  }
0x4f: {  	_ =	shalt  }
0x50: {  	_ =	shalt  }
0x51: {  	_ =	shalt  }
0x52: {  	_ =	shalt  }
0x53: {  	_ =	shalt  }
0x54: {  	_ =	shalt  }
0x55: {  	_ =	shalt  }
0x56: {  	_ =	shalt  }
0x57: {  	_ =	shalt  }
0x58: {  	_ =	shalt  }
0x59: {  	_ =	shalt  }
0x5a: {  	_ =	shalt  }
0x5b: {  	_ =	shalt  }
0x5c: {  	_ =	shalt  }
0x5d: {  	_ =	shalt  }
0x5e: {  	_ =	shalt  }
0x5f: {  	_ =	shalt  }
0x60: {  	_ =	shalt  }
0x61: {  	_ =	shalt  }
0x62: {  	_ =	shalt  }
0x63: {  	_ =	shalt  }
0x64: {  	_ =	shalt  }
0x65: {  	_ =	shalt  }
0x66: {  	_ =	shalt  }
0x67: {  	_ =	shalt  }
0x68: {  	_ =	shalt  }
0x69: {  	_ =	shalt  }
0x6a: {  	_ =	shalt  }
0x6b: {  	_ =	shalt  }
0x6c: {  	_ =	shalt  }
0x6d: {  	_ =	shalt  }
0x6e: {  	_ =	shalt  }
0x6f: {  	_ =	shalt  }
0x70: {  	_ =	shalt  }
0x71: {  	_ =	shalt  }
0x72: {  	_ =	shalt  }
0x73: {  	_ =	shalt  }
0x74: {  	_ =	shalt  }
0x75: {  	_ =	shalt  }
0x76: {  	_ =	shalt  }
0x77: {  	_ =	shalt  }
0x78: {  	_ =	shalt  }
0x79: {  	_ =	shalt  }
0x7a: {  	_ =	shalt  }
0x7b: {  	_ =	shalt  }
0x7c: {  	_ =	shalt  }
0x7d: {  	_ =	shalt  }
0x7e: {  	_ =	shalt  }
0x7f: {  	_ =	shalt  }
0x80: {  	_ =	shalt  }
0x81: {  	_ =	shalt  }
0x82: {  	_ =	shalt  }
0x83: {  	_ =	shalt  }
0x84: {  	_ =	shalt  }
0x85: {  	_ =	shalt  }
0x86: {  	_ =	shalt  }
0x87: {  	_ =	shalt  }
.Lfunc_end0:
.L_simem_size_0:
called_computation_lowered:
.L_overlay_start_0:
0x88: {  	s2 =	sld [smem:$0x3FD9]  }
0x89: {  	s3 =	sld [smem:$0x3FFE];
	_ =	sdelay $0x1  }
0x8a: {  	s1 =	srdreg.scid  }
0x8b: {  	s0 =	sand.u32 $0x1, s1  }
0x8c: {  	s17 =	sshll.u32 s0, $0xA;
	s2 =	sadd.s32 s3, s2  }
0x8d: {  	s2 =	sadd.s32 s2, s17  }
0x8e: {  	[smem:$0x3FC1] =	sst s2  }
0x8f: {  	_ = 	snop  }
0x90: {  	s2 =	sld [smem:$0x3FC7]  }
0x91: {  	s18 =	sld [smem:$0x3FD0];
	(tm) =	ssettm $0x1  }
0x92: {  	s4 =	sld [smem:$0x3FFB];
	_ =	sdelay $0x3  }
0x93: {  	_ =	strace s4  }
0x94: {  	s4 =	sld [smem:$0x3FFC];
	_ =	sdelay $0x3  }
0x95: {  	_ =	strace s4  }
0x96: {  	s4 =	sld [smem:$0x3FFD];
	_ =	sdelay $0x3  }
0x97: {  	_ =	strace s4  }
0x98: {  	_ =	strace $0x8FFFFFFF  }
0x99: {  	s19 =	sld [smem:$0x3FDB];
	_ =	sdelay $0x1  }
0x9a: {  	s5 =	simm.s32 $_scs_section_size  }
0x9b: {  	s6 =	simm.s32 $_size__tile_overlayer_lowered;
	s7 =	simm.s32 $_tile_overlayer_lowered  }
0x9c: {  	s22 =	simm.s32 $0x1BFF;
	s21 =	sshll.u32 s7, $0x1;
	s4 =	sadd.s32 s5, s19  }
0x9d: {  	s8 =	simm.s32 $0x0;
	s20 =	sshll.u32 s6, $0x1;
	s6 =	sadd.s32 s21, s4  }
0x9e: {  	[timem:s8], [sflag:s22] =	dma.local [hbm:s6], s20  }
0x9f: {  	_ =	swait.ge [sflag:s22], s20  }
0xa0: {  	s5 =	ssub.s32 $0x0, s20;
	[sflag:s22] =	ssyncset.done $0x0  }
0xa1: {  	[sflag:s22] =	ssyncadd.s32 s5;
	_ =	sdelay $0x1  }
0xa2: {  	s23 =	simm.s32 $0x1B8B  }
0xa3: {  	_ =	swait.ge [sflag:s23], $0x1  }
0xa4: {  	[sflag:s23] =	ssyncset.done $0x0  }
0xa5: {  	s25 =	simm.s32 $0x1B8E;
	s24 =	sld [smem:$0x3FFE];
	[sflag:s23] =	ssyncadd.s32 $0xFFFFFFFF  }
0xa6: {  	s26 =	simm.s32 $execute0_lowered;
	[smem:$0x3FD2] =	sst s25  }
0xa7: {  	s6 =	sshll.u32 s26, $0x1;
	_ =	strace $0x80000046;
	[dreg:$0x1] =	wrdreg $0xFFFFFFFF  }
0xa8: {  	s28 =	simm.s32 $_size_execute0_lowered;
	s4 =	sadd.s32 s4, s6;
	[dreg:$0x0] =	wrdreg $0x0  }
0xa9: {  	s6 =	sshll.u32 s28, $0x1;
	[dreg:$0x2] =	wrdreg s4  }
0xaa: {  	[dreg:$0x3] =	wrdreg s6  }
0xab: {  	[dreg:$0x4] =	wrdreg $0xC0  }
0xac: {  	_ =	task [dreg:s8], $0x5FFFF  }
0xad: {  	[dreg:$0x1] =	wrdreg $0xFFFFFFFF  }
0xae: {  	[dreg:$0x0] =	wrdreg $0x60  }
0xaf: {  	[dreg:$0x2] =	wrdreg s2  }
0xb0: {  	[dreg:$0x3] =	wrdreg s18  }
0xb1: {  	[dreg:$0x4] =	wrdreg s24  }
0xb2: {  	[dreg:$0x5] =	wrdreg $0x9  }
0xb3: {  	_ =	task.clear_ibuf [dreg:s8], $0x6FFFF;
	_ =	strace $0x90000046  }
0xb4: {  	s29 =	simm.s32 $0x9;
	_ =	strace $0x80000048  }
0xb5: {  	_ =	swait.ge [sflag:s29], $0x1  }
0xb6: {  	[sflag:s29] =	ssyncadd.s32 $0xFFFFFFFF  }
0xb7: {  	_ =	strace $0x90000048  }
0xb8: {  	_ =	sfence  }
0xb9: {  	s30 =	sld [smem:$0x0];
	_ =	sdelay $0x2  }
0xba: {  	s31 =	sshll.u32 s1, $0xD;
	s1 =	sshrl.u32 s1, $0x2  }
0xbb: {  	s3 =	sand.u32 $0x4000, s31;
	s1 =	sadd.s32 s1, s30  }
0xbc: {  	s0 =	sor.u32 s3, s0;
	s1 =	sshll.u32 s1, $0x11  }
0xbd: {  	s0 =	sor.u32 s1, s0  }
0xbe: {  	s0 =	sadd.s32 $0x8F2B, s0  }
0xbf: {  	[sflag:s0] =	ssyncadd.remote.s32 $0x1  }
0xc0: {  	_ =	sfence.sel $0xFFFF  }
0xc1: {  	[dreg:$0x0] =	wrdreg $0xFFFFFFFF;
	(pc) =	sbr.abs _section_cstart, $3  }
0xc2: {  	[dreg:$0x1] =	wrdreg $0xFFFFFFFF  }
0xc3: {  	_ =	task.clear_ibuf [dreg:s8], $0x2FFFF;
	_ =	strace $0x9FFFFFFF  }
0xc4: {  	(tm) =	ssettm $0x7FFFFFFF  }
0xc5: {  	_ =	shalt  }
tec
execute0_lowered:
.L_overlay_start_1:
0x0: {  	(tag) =	ssettag $0x1  }
0x1: {  	s1 =	rddreg [dreg:$0x0]  }
0x2: {  	s0 =	rddreg [dreg:$0x1]  }
0x3: {  	s2 =	srdreg.scid;
	s3 =	stileid.u32  }
0x4: {  	s4 =	rddreg [dreg:$0x2];
	s13 =	simm.s32 $0xA00;
	s14 =	simm.s32 $0x1200  }
0x5: {  	s15 =	simm.s32 $0x1A00;
	s16 =	simm.s32 $0x2200;
	s17 =	simm.s32 $0x2A00  }
0x6: {  	s18 =	simm.s32 $0x3200;
	s19 =	simm.s32 $0x3A00;
	s20 =	simm.s32 $0x4200  }
0x7: {  	s21 =	simm.s32 $0x4A00;
	s22 =	simm.s32 $0x5200;
	s28 =	simm.s32 $0x7A00  }
0x8: {  	s29 =	simm.s32 $0x8200;
	s30 =	simm.s32 $0x8A00;
	s31 =	simm.s32 $0x9200  }
0x9: {  	s9 =	simm.s32 $0xAA00;
	s10 =	simm.s32 $0xBA00;
	s11 =	simm.s32 $0xC200  }
0xa: {  	s2 =	sand.u32 $0x1, s2;
	s5 =	sshll.u32 s3, $0x1;
	s3 =	simm.s32 $0x0  }
0xb: {  	s4 =	sadd.s32 $0x1800, s4;
	s5 =	sor.u32 s2, s5;
	[smem:$0x7FF] =	sst s3  }
0xc: {  	s2 =	ssub.s32 $0x2, s2;
	s6 =	smul.u32 $0x6000, s5;
	_ =	strace $0x80000047  }
0xd: {  	s7 =	smul.u32 $0x30000, s5;
	s8 =	sshrl.u32 s2, $0x1;
	s5 =	sshll.u32 s5, $0x6  }
0xe: {  	s0 =	sadd.s32 s0, s5;
	s2 =	ssub.s32 s2, s8;
	s5 =	sadd.s32 $0x100, s1  }
0xf: {  	s8 =	simm.s32 $0x3;
	s6 =	sadd.s32 s4, s6;
	[dreg:$0x4] =	wrdreg s0  }
0x10: {  	s23 =	sshrl.u32 s7, $0x3;
	[dreg:$0x8] =	wrdreg s6;
	s24 =	sadd.s32 $0x1800, s6  }
0x11: {  	s4 =	sadd.s32 s4, s23;
	s6 =	sadd.s32 $0x200, s1;
	s23 =	simm.s32 $0x5A00  }
0x12: {  	v2 =	vlaneseq.u32;
	[dreg:$0x5] =	wrdreg s24;
	s25 =	sadd.s32 $0x3000, s4;
	s26 =	sadd.s32 $0x4800, s4  }
0x13: {  	vm0 =	vmmov $0xffff;
	v1 =	vshrl.u32 v2, $0x3;
	s4 =	smax.u32 s2, $0x1;
	s24 =	simm.s32 $0x6200;
	[dreg:$0x6] =	wrdreg s25  }
0x14: {  	v0 =	vand.u32 $0x7, v2;
	v2 =	vor.u32 $0x8, v2;
	v1 =	vmul.u32 $0x8, v1;
	[dreg:$0x7] =	wrdreg s26;
	s25 =	simm.s32 $0x6A00;
	s26 =	simm.s32 $0x7200  }
.LBB2_1:
0x15: {  	s12 =	rddreg [dreg:$0x4]  }
0x16: {  	[tilespmem:s3], [sflag:$0x3] =	stream.linear.gather [hbm4b:s12+s3], $0x200, $0x38;
	[tilespmem:$0x18200] =	vst v63  }
0x17: {  	_ =	swait.ge [sflag:s8], $0x200  }
0x18: {  	[sflag:s8] =	ssyncset.done $0x0  }
0x19: {  	[sflag:s8] =	ssyncadd.s32 $0xFFFFFE00  }
0x1a: {  	v3 =	vld [tilespmem:$0x0];
	_ =	sdelay $0x4  }
0x1b: {  	v4 =	vshrl.u32 v3, $0x3  }
0x1c: {  	v4 =	vmul.u32 $0x30, v4  }
0x1d: {  	v3 =	vand.u32 $0x7, v3  }
0x1e: {  	v3 =	vor.u32 v3, v4  }
0x1f: {  	v4 =	vperm.xlane v3, v0;
	_ =	sdelay $0x1  }
0x20: {  	v4 =	vadd.s32 v1, v4;
	_ =	sdelay $0x3  }
0x21: {  	s0 =	simm.s32 $0x200;
	v3 =	vperm.xlane v3, v2  }
0x22: {  	[tilespmem:s0], [sflag:$0x1] =	stream.indirect_vreg.gather [hbm4b:s1+s3], $0x80, v4, vm0, $0xb8;
	[tilespmem:$0x18200] =	vst v63  }
0x23: {  	v3 =	vadd.s32 v1, v3  }
0x24: {  	[tilespmem:s13], [sflag:$0x1] =	stream.indirect_vreg.gather [hbm4b:s5+s3], $0x80, v4, vm0, $0xb8;
	[tilespmem:$0x18200] =	vst v63  }
0x25: {  	_ = 	snop  }
0x26: {  	[tilespmem:s14], [sflag:$0x1] =	stream.indirect_vreg.gather [hbm4b:s6+s3], $0x80, v4, vm0, $0xb8;
	[tilespmem:$0x18200] =	vst v63  }
0x27: {  	_ = 	snop  }
0x28: {  	[tilespmem:s15], [sflag:$0x1] =	stream.indirect_vreg.gather [hbm4b:s1+s3], $0x80, v3, vm0, $0xb8;
	[tilespmem:$0x18200] =	vst v63  }
0x29: {  	_ = 	snop  }
0x2a: {  	[tilespmem:s16], [sflag:$0x1] =	stream.indirect_vreg.gather [hbm4b:s5+s3], $0x80, v3, vm0, $0xb8;
	[tilespmem:$0x18200] =	vst v63  }
0x2b: {  	_ = 	snop  }
0x2c: {  	[tilespmem:s17], [sflag:$0x1] =	stream.indirect_vreg.gather [hbm4b:s6+s3], $0x80, v3, vm0, $0xb8;
	[tilespmem:$0x18200] =	vst v63  }
0x2d: {  	v3 =	vld [tilespmem:$0x10];
	_ =	sdelay $0x4  }
0x2e: {  	v49 =	vshrl.u32 v3, $0x3  }
0x2f: {  	v4 =	vmul.u32 $0x30, v49  }
0x30: {  	v3 =	vand.u32 $0x7, v3  }
0x31: {  	v3 =	vor.u32 v3, v4  }
0x32: {  	v4 =	vperm.xlane v3, v0;
	_ =	sdelay $0x1  }
0x33: {  	v4 =	vadd.s32 v1, v4;
	_ =	sdelay $0x3  }
0x34: {  	v3 =	vperm.xlane v3, v2  }
0x35: {  	[tilespmem:s18], [sflag:$0x1] =	stream.indirect_vreg.gather [hbm4b:s1+s3], $0x80, v4, vm0, $0xb8;
	[tilespmem:$0x18200] =	vst v63  }
0x36: {  	v3 =	vadd.s32 v1, v3  }
0x37: {  	[tilespmem:s19], [sflag:$0x1] =	stream.indirect_vreg.gather [hbm4b:s5+s3], $0x80, v4, vm0, $0xb8;
	[tilespmem:$0x18200] =	vst v63  }
0x38: {  	_ = 	snop  }
0x39: {  	[tilespmem:s20], [sflag:$0x1] =	stream.indirect_vreg.gather [hbm4b:s6+s3], $0x80, v4, vm0, $0xb8;
	[tilespmem:$0x18200] =	vst v63  }
0x3a: {  	_ = 	snop  }
0x3b: {  	[tilespmem:s21], [sflag:$0x1] =	stream.indirect_vreg.gather [hbm4b:s1+s3], $0x80, v3, vm0, $0xb8;
	[tilespmem:$0x18200] =	vst v63  }
0x3c: {  	_ = 	snop  }
0x3d: {  	[tilespmem:s22], [sflag:$0x1] =	stream.indirect_vreg.gather [hbm4b:s5+s3], $0x80, v3, vm0, $0xb8;
	[tilespmem:$0x18200] =	vst v63  }
0x3e: {  	_ = 	snop  }
0x3f: {  	[tilespmem:s23], [sflag:$0x1] =	stream.indirect_vreg.gather [hbm4b:s6+s3], $0x80, v3, vm0, $0xb8;
	[tilespmem:$0x18200] =	vst v63  }
0x40: {  	v3 =	vld [tilespmem:$0x20];
	_ =	sdelay $0x4  }
0x41: {  	v50 =	vshrl.u32 v3, $0x3  }
0x42: {  	v4 =	vmul.u32 $0x30, v50  }
0x43: {  	v3 =	vand.u32 $0x7, v3  }
0x44: {  	v3 =	vor.u32 v3, v4  }
0x45: {  	v4 =	vperm.xlane v3, v0;
	_ =	sdelay $0x1  }
0x46: {  	v4 =	vadd.s32 v1, v4;
	_ =	sdelay $0x3  }
0x47: {  	v3 =	vperm.xlane v3, v2  }
0x48: {  	[tilespmem:s24], [sflag:$0x1] =	stream.indirect_vreg.gather [hbm4b:s1+s3], $0x80, v4, vm0, $0xb8;
	[tilespmem:$0x18200] =	vst v63  }
0x49: {  	v3 =	vadd.s32 v1, v3  }
0x4a: {  	[tilespmem:s25], [sflag:$0x1] =	stream.indirect_vreg.gather [hbm4b:s5+s3], $0x80, v4, vm0, $0xb8;
	[tilespmem:$0x18200] =	vst v63  }
0x4b: {  	_ = 	snop  }
0x4c: {  	[tilespmem:s26], [sflag:$0x1] =	stream.indirect_vreg.gather [hbm4b:s6+s3], $0x80, v4, vm0, $0xb8;
	[tilespmem:$0x18200] =	vst v63  }
0x4d: {  	_ = 	snop  }
0x4e: {  	[tilespmem:s28], [sflag:$0x1] =	stream.indirect_vreg.gather [hbm4b:s1+s3], $0x80, v3, vm0, $0xb8;
	[tilespmem:$0x18200] =	vst v63  }
0x4f: {  	_ = 	snop  }
0x50: {  	[tilespmem:s29], [sflag:$0x1] =	stream.indirect_vreg.gather [hbm4b:s5+s3], $0x80, v3, vm0, $0xb8;
	[tilespmem:$0x18200] =	vst v63  }
0x51: {  	_ = 	snop  }
0x52: {  	[tilespmem:s30], [sflag:$0x1] =	stream.indirect_vreg.gather [hbm4b:s6+s3], $0x80, v3, vm0, $0xb8;
	[tilespmem:$0x18200] =	vst v63  }
0x53: {  	v3 =	vld [tilespmem:$0x30];
	_ =	sdelay $0x4  }
0x54: {  	v51 =	vshrl.u32 v3, $0x3  }
0x55: {  	v4 =	vmul.u32 $0x30, v51  }
0x56: {  	v3 =	vand.u32 $0x7, v3  }
0x57: {  	v3 =	vor.u32 v3, v4  }
0x58: {  	v4 =	vperm.xlane v3, v0;
	_ =	sdelay $0x1  }
0x59: {  	v4 =	vadd.s32 v1, v4;
	_ =	sdelay $0x3  }
0x5a: {  	v3 =	vperm.xlane v3, v2  }
0x5b: {  	[tilespmem:s31], [sflag:$0x1] =	stream.indirect_vreg.gather [hbm4b:s1+s3], $0x80, v4, vm0, $0xb8;
	[tilespmem:$0x18200] =	vst v63  }
0x5c: {  	s2 =	simm.s32 $0x9A00;
	v3 =	vadd.s32 v1, v3  }
0x5d: {  	[tilespmem:s2], [sflag:$0x1] =	stream.indirect_vreg.gather [hbm4b:s5+s3], $0x80, v4, vm0, $0xb8;
	[tilespmem:$0x18200] =	vst v63  }
0x5e: {  	s12 =	simm.s32 $0xA200  }
0x5f: {  	[tilespmem:s12], [sflag:$0x1] =	stream.indirect_vreg.gather [hbm4b:s6+s3], $0x80, v4, vm0, $0xb8;
	[tilespmem:$0x18200] =	vst v63  }
0x60: {  	_ = 	snop  }
0x61: {  	[tilespmem:s9], [sflag:$0x1] =	stream.indirect_vreg.gather [hbm4b:s1+s3], $0x80, v3, vm0, $0xb8;
	[tilespmem:$0x18200] =	vst v63  }
0x62: {  	s7 =	simm.s32 $0xB200  }
0x63: {  	[tilespmem:s7], [sflag:$0x1] =	stream.indirect_vreg.gather [hbm4b:s5+s3], $0x80, v3, vm0, $0xb8;
	[tilespmem:$0x18200] =	vst v63  }
0x64: {  	_ = 	snop  }
0x65: {  	[tilespmem:s10], [sflag:$0x1] =	stream.indirect_vreg.gather [hbm4b:s6+s3], $0x80, v3, vm0, $0xb8;
	[tilespmem:$0x18200] =	vst v63  }
0x66: {  	v3 =	vld [tilespmem:$0x80];
	_ =	sdelay $0x4  }
0x67: {  	v52 =	vshrl.u32 v3, $0x3  }
0x68: {  	v4 =	vmul.u32 $0x30, v52  }
0x69: {  	v3 =	vand.u32 $0x7, v3  }
0x6a: {  	v3 =	vor.u32 v3, v4  }
0x6b: {  	v4 =	vperm.xlane v3, v0;
	_ =	sdelay $0x1  }
0x6c: {  	v4 =	vadd.s32 v1, v4;
	_ =	sdelay $0x3  }
0x6d: {  	v3 =	vperm.xlane v3, v2  }
0x6e: {  	[tilespmem:s11], [sflag:$0x2] =	stream.indirect_vreg.gather [hbm4b:s1+s3], $0x80, v4, vm0, $0xb8;
	[tilespmem:$0x18200] =	vst v63  }
0x6f: {  	s12 =	simm.s32 $0xCA00;
	v3 =	vadd.s32 v1, v3  }
0x70: {  	[tilespmem:s12], [sflag:$0x2] =	stream.indirect_vreg.gather [hbm4b:s5+s3], $0x80, v4, vm0, $0xb8;
	[tilespmem:$0x18200] =	vst v63  }
0x71: {  	s7 =	simm.s32 $0xD200  }
0x72: {  	[tilespmem:s7], [sflag:$0x2] =	stream.indirect_vreg.gather [hbm4b:s6+s3], $0x80, v4, vm0, $0xb8;
	[tilespmem:$0x18200] =	vst v63  }
0x73: {  	s12 =	simm.s32 $0xDA00  }
0x74: {  	[tilespmem:s12], [sflag:$0x2] =	stream.indirect_vreg.gather [hbm4b:s1+s3], $0x80, v3, vm0, $0xb8;
	[tilespmem:$0x18200] =	vst v63  }
0x75: {  	s7 =	simm.s32 $0xE200  }
0x76: {  	[tilespmem:s7], [sflag:$0x2] =	stream.indirect_vreg.gather [hbm4b:s5+s3], $0x80, v3, vm0, $0xb8;
	[tilespmem:$0x18200] =	vst v63  }
0x77: {  	s12 =	simm.s32 $0xEA00  }
0x78: {  	[tilespmem:s12], [sflag:$0x2] =	stream.indirect_vreg.gather [hbm4b:s6+s3], $0x80, v3, vm0, $0xb8;
	[tilespmem:$0x18200] =	vst v63  }
0x79: {  	v3 =	vld [tilespmem:$0x90];
	_ =	sdelay $0x4  }
0x7a: {  	v53 =	vshrl.u32 v3, $0x3  }
0x7b: {  	v4 =	vmul.u32 $0x30, v53  }
0x7c: {  	v3 =	vand.u32 $0x7, v3  }
0x7d: {  	v3 =	vor.u32 v3, v4  }
0x7e: {  	v4 =	vperm.xlane v3, v0;
	_ =	sdelay $0x1  }
0x7f: {  	v4 =	vadd.s32 v1, v4;
	_ =	sdelay $0x3  }
0x80: {  	s7 =	simm.s32 $0xF200;
	v3 =	vperm.xlane v3, v2  }
0x81: {  	[tilespmem:s7], [sflag:$0x2] =	stream.indirect_vreg.gather [hbm4b:s1+s3], $0x80, v4, vm0, $0xb8;
	[tilespmem:$0x18200] =	vst v63  }
0x82: {  	s12 =	simm.s32 $0xFA00;
	v3 =	vadd.s32 v1, v3  }
0x83: {  	[tilespmem:s12], [sflag:$0x2] =	stream.indirect_vreg.gather [hbm4b:s5+s3], $0x80, v4, vm0, $0xb8;
	[tilespmem:$0x18200] =	vst v63  }
0x84: {  	s7 =	simm.s32 $0x10200  }
0x85: {  	[tilespmem:s7], [sflag:$0x2] =	stream.indirect_vreg.gather [hbm4b:s6+s3], $0x80, v4, vm0, $0xb8;
	[tilespmem:$0x18200] =	vst v63  }
0x86: {  	s12 =	simm.s32 $0x10A00  }
0x87: {  	[tilespmem:s12], [sflag:$0x2] =	stream.indirect_vreg.gather [hbm4b:s1+s3], $0x80, v3, vm0, $0xb8;
	[tilespmem:$0x18200] =	vst v63  }
0x88: {  	s7 =	simm.s32 $0x11200  }
0x89: {  	[tilespmem:s7], [sflag:$0x2] =	stream.indirect_vreg.gather [hbm4b:s5+s3], $0x80, v3, vm0, $0xb8;
	[tilespmem:$0x18200] =	vst v63  }
0x8a: {  	s12 =	simm.s32 $0x11A00  }
0x8b: {  	[tilespmem:s12], [sflag:$0x2] =	stream.indirect_vreg.gather [hbm4b:s6+s3], $0x80, v3, vm0, $0xb8;
	[tilespmem:$0x18200] =	vst v63  }
0x8c: {  	v3 =	vld [tilespmem:$0xA0];
	_ =	sdelay $0x4  }
0x8d: {  	v54 =	vshrl.u32 v3, $0x3  }
0x8e: {  	v4 =	vmul.u32 $0x30, v54  }
0x8f: {  	v3 =	vand.u32 $0x7, v3  }
0x90: {  	v3 =	vor.u32 v3, v4  }
0x91: {  	v4 =	vperm.xlane v3, v0;
	_ =	sdelay $0x1  }
0x92: {  	v4 =	vadd.s32 v1, v4;
	_ =	sdelay $0x3  }
0x93: {  	s7 =	simm.s32 $0x12200;
	v3 =	vperm.xlane v3, v2  }
0x94: {  	[tilespmem:s7], [sflag:$0x2] =	stream.indirect_vreg.gather [hbm4b:s1+s3], $0x80, v4, vm0, $0xb8;
	[tilespmem:$0x18200] =	vst v63  }
0x95: {  	s12 =	simm.s32 $0x12A00;
	v3 =	vadd.s32 v1, v3  }
0x96: {  	[tilespmem:s12], [sflag:$0x2] =	stream.indirect_vreg.gather [hbm4b:s5+s3], $0x80, v4, vm0, $0xb8;
	[tilespmem:$0x18200] =	vst v63  }
0x97: {  	s7 =	simm.s32 $0x13200  }
0x98: {  	[tilespmem:s7], [sflag:$0x2] =	stream.indirect_vreg.gather [hbm4b:s6+s3], $0x80, v4, vm0, $0xb8;
	[tilespmem:$0x18200] =	vst v63  }
0x99: {  	s12 =	simm.s32 $0x13A00  }
0x9a: {  	[tilespmem:s12], [sflag:$0x2] =	stream.indirect_vreg.gather [hbm4b:s1+s3], $0x80, v3, vm0, $0xb8;
	[tilespmem:$0x18200] =	vst v63  }
0x9b: {  	s7 =	simm.s32 $0x14200  }
0x9c: {  	[tilespmem:s7], [sflag:$0x2] =	stream.indirect_vreg.gather [hbm4b:s5+s3], $0x80, v3, vm0, $0xb8;
	[tilespmem:$0x18200] =	vst v63  }
0x9d: {  	s12 =	simm.s32 $0x14A00  }
0x9e: {  	[tilespmem:s12], [sflag:$0x2] =	stream.indirect_vreg.gather [hbm4b:s6+s3], $0x80, v3, vm0, $0xb8;
	[tilespmem:$0x18200] =	vst v63  }
0x9f: {  	v3 =	vld [tilespmem:$0xB0];
	_ =	sdelay $0x4  }
0xa0: {  	v55 =	vshrl.u32 v3, $0x3  }
0xa1: {  	v4 =	vmul.u32 $0x30, v55  }
0xa2: {  	v3 =	vand.u32 $0x7, v3  }
0xa3: {  	v3 =	vor.u32 v3, v4  }
0xa4: {  	v4 =	vperm.xlane v3, v0;
	_ =	sdelay $0x1  }
0xa5: {  	v4 =	vadd.s32 v1, v4;
	_ =	sdelay $0x3  }
0xa6: {  	s7 =	simm.s32 $0x15200;
	v3 =	vperm.xlane v3, v2  }
0xa7: {  	[tilespmem:s7], [sflag:$0x2] =	stream.indirect_vreg.gather [hbm4b:s1+s3], $0x80, v4, vm0, $0xb8;
	[tilespmem:$0x18200] =	vst v63  }
0xa8: {  	s12 =	simm.s32 $0x15A00;
	v3 =	vadd.s32 v1, v3  }
0xa9: {  	[tilespmem:s12], [sflag:$0x2] =	stream.indirect_vreg.gather [hbm4b:s5+s3], $0x80, v4, vm0, $0xb8;
	[tilespmem:$0x18200] =	vst v63  }
0xaa: {  	s7 =	simm.s32 $0x16200  }
0xab: {  	[tilespmem:s7], [sflag:$0x2] =	stream.indirect_vreg.gather [hbm4b:s6+s3], $0x80, v4, vm0, $0xb8;
	[tilespmem:$0x18200] =	vst v63  }
0xac: {  	s12 =	simm.s32 $0x16A00  }
0xad: {  	[tilespmem:s12], [sflag:$0x2] =	stream.indirect_vreg.gather [hbm4b:s1+s3], $0x80, v3, vm0, $0xb8;
	[tilespmem:$0x18200] =	vst v63  }
0xae: {  	s7 =	simm.s32 $0x17200  }
0xaf: {  	[tilespmem:s7], [sflag:$0x2] =	stream.indirect_vreg.gather [hbm4b:s5+s3], $0x80, v3, vm0, $0xb8;
	[tilespmem:$0x18200] =	vst v63  }
0xb0: {  	s0 =	simm.s32 $0x1;
	s12 =	simm.s32 $0x17A00  }
0xb1: {  	[tilespmem:s12], [sflag:$0x2] =	stream.indirect_vreg.gather [hbm4b:s6+s3], $0x80, v3, vm0, $0xb8;
	[tilespmem:$0x18200] =	vst v63  }
0xb2: {  	_ =	swait.ge [sflag:s0], $0xC000  }
0xb3: {  	[sflag:s0] =	ssyncset.done $0x0  }
0xb4: {  	s7 =	simm.s32 $0x200;
	s12 =	rddreg [dreg:$0x8];
	[sflag:s0] =	ssyncadd.s32 $0xFFFF4000  }
0xb5: {  	[hbm4b:s12+s3] =	stream.linear.scatter [tilespmem:s7], [sflag:$0x3], $0xC000, $0x38;
	[tilespmem:$0x18200] =	vst v63  }
0xb6: {  	_ =	swait.ge [sflag:s8], $0xC000  }
0xb7: {  	[sflag:s8] =	ssyncset.done $0x0  }
0xb8: {  	[sflag:s8] =	ssyncadd.s32 $0xFFFF4000  }
0xb9: {  	v3 =	vld [tilespmem:$0x100];
	_ =	sdelay $0x4  }
0xba: {  	v56 =	vshrl.u32 v3, $0x3  }
0xbb: {  	v4 =	vmul.u32 $0x30, v56  }
0xbc: {  	v3 =	vand.u32 $0x7, v3  }
0xbd: {  	v3 =	vor.u32 v3, v4  }
0xbe: {  	v4 =	vperm.xlane v3, v0;
	_ =	sdelay $0x1  }
0xbf: {  	v4 =	vadd.s32 v1, v4;
	_ =	sdelay $0x3  }
0xc0: {  	v3 =	vperm.xlane v3, v2  }
0xc1: {  	[tilespmem:s7], [sflag:$0x1] =	stream.indirect_vreg.gather [hbm4b:s1+s3], $0x80, v4, vm0, $0xb8;
	[tilespmem:$0x18200] =	vst v63  }
0xc2: {  	v3 =	vadd.s32 v1, v3  }
0xc3: {  	[tilespmem:s13], [sflag:$0x1] =	stream.indirect_vreg.gather [hbm4b:s5+s3], $0x80, v4, vm0, $0xb8;
	[tilespmem:$0x18200] =	vst v63  }
0xc4: {  	_ = 	snop  }
0xc5: {  	[tilespmem:s14], [sflag:$0x1] =	stream.indirect_vreg.gather [hbm4b:s6+s3], $0x80, v4, vm0, $0xb8;
	[tilespmem:$0x18200] =	vst v63  }
0xc6: {  	_ = 	snop  }
0xc7: {  	[tilespmem:s15], [sflag:$0x1] =	stream.indirect_vreg.gather [hbm4b:s1+s3], $0x80, v3, vm0, $0xb8;
	[tilespmem:$0x18200] =	vst v63  }
0xc8: {  	_ = 	snop  }
0xc9: {  	[tilespmem:s16], [sflag:$0x1] =	stream.indirect_vreg.gather [hbm4b:s5+s3], $0x80, v3, vm0, $0xb8;
	[tilespmem:$0x18200] =	vst v63  }
0xca: {  	_ = 	snop  }
0xcb: {  	[tilespmem:s17], [sflag:$0x1] =	stream.indirect_vreg.gather [hbm4b:s6+s3], $0x80, v3, vm0, $0xb8;
	[tilespmem:$0x18200] =	vst v63  }
0xcc: {  	v3 =	vld [tilespmem:$0x110];
	_ =	sdelay $0x4  }
0xcd: {  	v57 =	vshrl.u32 v3, $0x3  }
0xce: {  	v4 =	vmul.u32 $0x30, v57  }
0xcf: {  	v3 =	vand.u32 $0x7, v3  }
0xd0: {  	v3 =	vor.u32 v3, v4  }
0xd1: {  	v4 =	vperm.xlane v3, v0;
	_ =	sdelay $0x1  }
0xd2: {  	v4 =	vadd.s32 v1, v4;
	_ =	sdelay $0x3  }
0xd3: {  	v3 =	vperm.xlane v3, v2  }
0xd4: {  	[tilespmem:s18], [sflag:$0x1] =	stream.indirect_vreg.gather [hbm4b:s1+s3], $0x80, v4, vm0, $0xb8;
	[tilespmem:$0x18200] =	vst v63  }
0xd5: {  	v3 =	vadd.s32 v1, v3  }
0xd6: {  	[tilespmem:s19], [sflag:$0x1] =	stream.indirect_vreg.gather [hbm4b:s5+s3], $0x80, v4, vm0, $0xb8;
	[tilespmem:$0x18200] =	vst v63  }
0xd7: {  	_ = 	snop  }
0xd8: {  	[tilespmem:s20], [sflag:$0x1] =	stream.indirect_vreg.gather [hbm4b:s6+s3], $0x80, v4, vm0, $0xb8;
	[tilespmem:$0x18200] =	vst v63  }
0xd9: {  	_ = 	snop  }
0xda: {  	[tilespmem:s21], [sflag:$0x1] =	stream.indirect_vreg.gather [hbm4b:s1+s3], $0x80, v3, vm0, $0xb8;
	[tilespmem:$0x18200] =	vst v63  }
0xdb: {  	_ = 	snop  }
0xdc: {  	[tilespmem:s22], [sflag:$0x1] =	stream.indirect_vreg.gather [hbm4b:s5+s3], $0x80, v3, vm0, $0xb8;
	[tilespmem:$0x18200] =	vst v63  }
0xdd: {  	_ = 	snop  }
0xde: {  	[tilespmem:s23], [sflag:$0x1] =	stream.indirect_vreg.gather [hbm4b:s6+s3], $0x80, v3, vm0, $0xb8;
	[tilespmem:$0x18200] =	vst v63  }
0xdf: {  	v3 =	vld [tilespmem:$0x120];
	_ =	sdelay $0x4  }
0xe0: {  	v58 =	vshrl.u32 v3, $0x3  }
0xe1: {  	v4 =	vmul.u32 $0x30, v58  }
0xe2: {  	v3 =	vand.u32 $0x7, v3  }
0xe3: {  	v3 =	vor.u32 v3, v4  }
0xe4: {  	v4 =	vperm.xlane v3, v0;
	_ =	sdelay $0x1  }
0xe5: {  	v4 =	vadd.s32 v1, v4;
	_ =	sdelay $0x3  }
0xe6: {  	v3 =	vperm.xlane v3, v2  }
0xe7: {  	[tilespmem:s24], [sflag:$0x1] =	stream.indirect_vreg.gather [hbm4b:s1+s3], $0x80, v4, vm0, $0xb8;
	[tilespmem:$0x18200] =	vst v63  }
0xe8: {  	v3 =	vadd.s32 v1, v3  }
0xe9: {  	[tilespmem:s25], [sflag:$0x1] =	stream.indirect_vreg.gather [hbm4b:s5+s3], $0x80, v4, vm0, $0xb8;
	[tilespmem:$0x18200] =	vst v63  }
0xea: {  	_ = 	snop  }
0xeb: {  	[tilespmem:s26], [sflag:$0x1] =	stream.indirect_vreg.gather [hbm4b:s6+s3], $0x80, v4, vm0, $0xb8;
	[tilespmem:$0x18200] =	vst v63  }
0xec: {  	_ = 	snop  }
0xed: {  	[tilespmem:s28], [sflag:$0x1] =	stream.indirect_vreg.gather [hbm4b:s1+s3], $0x80, v3, vm0, $0xb8;
	[tilespmem:$0x18200] =	vst v63  }
0xee: {  	_ = 	snop  }
0xef: {  	[tilespmem:s29], [sflag:$0x1] =	stream.indirect_vreg.gather [hbm4b:s5+s3], $0x80, v3, vm0, $0xb8;
	[tilespmem:$0x18200] =	vst v63  }
0xf0: {  	_ = 	snop  }
0xf1: {  	[tilespmem:s30], [sflag:$0x1] =	stream.indirect_vreg.gather [hbm4b:s6+s3], $0x80, v3, vm0, $0xb8;
	[tilespmem:$0x18200] =	vst v63  }
0xf2: {  	v3 =	vld [tilespmem:$0x130];
	_ =	sdelay $0x4  }
0xf3: {  	v59 =	vshrl.u32 v3, $0x3  }
0xf4: {  	v4 =	vmul.u32 $0x30, v59  }
0xf5: {  	v3 =	vand.u32 $0x7, v3  }
0xf6: {  	v3 =	vor.u32 v3, v4  }
0xf7: {  	v4 =	vperm.xlane v3, v0;
	_ =	sdelay $0x1  }
0xf8: {  	v4 =	vadd.s32 v1, v4;
	_ =	sdelay $0x3  }
0xf9: {  	v3 =	vperm.xlane v3, v2  }
0xfa: {  	[tilespmem:s31], [sflag:$0x1] =	stream.indirect_vreg.gather [hbm4b:s1+s3], $0x80, v4, vm0, $0xb8;
	[tilespmem:$0x18200] =	vst v63  }
0xfb: {  	v3 =	vadd.s32 v1, v3  }
0xfc: {  	[tilespmem:s2], [sflag:$0x1] =	stream.indirect_vreg.gather [hbm4b:s5+s3], $0x80, v4, vm0, $0xb8;
	[tilespmem:$0x18200] =	vst v63  }
0xfd: {  	s7 =	simm.s32 $0xA200  }
0xfe: {  	[tilespmem:s7], [sflag:$0x1] =	stream.indirect_vreg.gather [hbm4b:s6+s3], $0x80, v4, vm0, $0xb8;
	[tilespmem:$0x18200] =	vst v63  }
0xff: {  	_ = 	snop  }
0x100: {  	[tilespmem:s9], [sflag:$0x1] =	stream.indirect_vreg.gather [hbm4b:s1+s3], $0x80, v3, vm0, $0xb8;
	[tilespmem:$0x18200] =	vst v63  }
0x101: {  	s12 =	simm.s32 $0xB200  }
0x102: {  	[tilespmem:s12], [sflag:$0x1] =	stream.indirect_vreg.gather [hbm4b:s5+s3], $0x80, v3, vm0, $0xb8;
	[tilespmem:$0x18200] =	vst v63  }
0x103: {  	s2 =	simm.s32 $0x2  }
0x104: {  	[tilespmem:s10], [sflag:$0x1] =	stream.indirect_vreg.gather [hbm4b:s6+s3], $0x80, v3, vm0, $0xb8;
	[tilespmem:$0x18200] =	vst v63  }
0x105: {  	_ =	swait.ge [sflag:s2], $0xC000  }
0x106: {  	[sflag:s2] =	ssyncset.done $0x0  }
0x107: {  	s7 =	rddreg [dreg:$0x5];
	[sflag:s2] =	ssyncadd.s32 $0xFFFF4000  }
0x108: {  	[hbm4b:s7+s3] =	stream.linear.scatter [tilespmem:s11], [sflag:$0x3], $0xC000, $0x38;
	[tilespmem:$0x18200] =	vst v63  }
0x109: {  	_ =	swait.ge [sflag:s8], $0xC000  }
0x10a: {  	[sflag:s8] =	ssyncset.done $0x0  }
0x10b: {  	[sflag:s8] =	ssyncadd.s32 $0xFFFF4000  }
0x10c: {  	v3 =	vld [tilespmem:$0x180];
	_ =	sdelay $0x4  }
0x10d: {  	v60 =	vshrl.u32 v3, $0x3  }
0x10e: {  	v4 =	vmul.u32 $0x30, v60  }
0x10f: {  	v3 =	vand.u32 $0x7, v3  }
0x110: {  	v3 =	vor.u32 v3, v4  }
0x111: {  	v4 =	vperm.xlane v3, v0;
	_ =	sdelay $0x1  }
0x112: {  	v4 =	vadd.s32 v1, v4;
	_ =	sdelay $0x3  }
0x113: {  	v3 =	vperm.xlane v3, v2  }
0x114: {  	[tilespmem:s11], [sflag:$0x2] =	stream.indirect_vreg.gather [hbm4b:s1+s3], $0x80, v4, vm0, $0xb8;
	[tilespmem:$0x18200] =	vst v63  }
0x115: {  	s12 =	simm.s32 $0xCA00;
	v3 =	vadd.s32 v1, v3  }
0x116: {  	[tilespmem:s12], [sflag:$0x2] =	stream.indirect_vreg.gather [hbm4b:s5+s3], $0x80, v4, vm0, $0xb8;
	[tilespmem:$0x18200] =	vst v63  }
0x117: {  	s12 =	simm.s32 $0xD200  }
0x118: {  	[tilespmem:s12], [sflag:$0x2] =	stream.indirect_vreg.gather [hbm4b:s6+s3], $0x80, v4, vm0, $0xb8;
	[tilespmem:$0x18200] =	vst v63  }
0x119: {  	s12 =	simm.s32 $0xDA00  }
0x11a: {  	[tilespmem:s12], [sflag:$0x2] =	stream.indirect_vreg.gather [hbm4b:s1+s3], $0x80, v3, vm0, $0xb8;
	[tilespmem:$0x18200] =	vst v63  }
0x11b: {  	s12 =	simm.s32 $0xE200  }
0x11c: {  	[tilespmem:s12], [sflag:$0x2] =	stream.indirect_vreg.gather [hbm4b:s5+s3], $0x80, v3, vm0, $0xb8;
	[tilespmem:$0x18200] =	vst v63  }
0x11d: {  	s12 =	simm.s32 $0xEA00  }
0x11e: {  	[tilespmem:s12], [sflag:$0x2] =	stream.indirect_vreg.gather [hbm4b:s6+s3], $0x80, v3, vm0, $0xb8;
	[tilespmem:$0x18200] =	vst v63  }
0x11f: {  	v3 =	vld [tilespmem:$0x190];
	_ =	sdelay $0x4  }
0x120: {  	v61 =	vshrl.u32 v3, $0x3  }
0x121: {  	v4 =	vmul.u32 $0x30, v61  }
0x122: {  	v3 =	vand.u32 $0x7, v3  }
0x123: {  	v3 =	vor.u32 v3, v4  }
0x124: {  	v4 =	vperm.xlane v3, v0;
	_ =	sdelay $0x1  }
0x125: {  	v4 =	vadd.s32 v1, v4;
	_ =	sdelay $0x3  }
0x126: {  	s12 =	simm.s32 $0xF200;
	v3 =	vperm.xlane v3, v2  }
0x127: {  	[tilespmem:s12], [sflag:$0x2] =	stream.indirect_vreg.gather [hbm4b:s1+s3], $0x80, v4, vm0, $0xb8;
	[tilespmem:$0x18200] =	vst v63  }
0x128: {  	v3 =	vadd.s32 v1, v3;
	s12 =	simm.s32 $0xFA00  }
0x129: {  	[tilespmem:s12], [sflag:$0x2] =	stream.indirect_vreg.gather [hbm4b:s5+s3], $0x80, v4, vm0, $0xb8;
	[tilespmem:$0x18200] =	vst v63  }
0x12a: {  	s12 =	simm.s32 $0x10200  }
0x12b: {  	[tilespmem:s12], [sflag:$0x2] =	stream.indirect_vreg.gather [hbm4b:s6+s3], $0x80, v4, vm0, $0xb8;
	[tilespmem:$0x18200] =	vst v63  }
0x12c: {  	s12 =	simm.s32 $0x10A00  }
0x12d: {  	[tilespmem:s12], [sflag:$0x2] =	stream.indirect_vreg.gather [hbm4b:s1+s3], $0x80, v3, vm0, $0xb8;
	[tilespmem:$0x18200] =	vst v63  }
0x12e: {  	s12 =	simm.s32 $0x11200  }
0x12f: {  	[tilespmem:s12], [sflag:$0x2] =	stream.indirect_vreg.gather [hbm4b:s5+s3], $0x80, v3, vm0, $0xb8;
	[tilespmem:$0x18200] =	vst v63  }
0x130: {  	s12 =	simm.s32 $0x11A00  }
0x131: {  	[tilespmem:s12], [sflag:$0x2] =	stream.indirect_vreg.gather [hbm4b:s6+s3], $0x80, v3, vm0, $0xb8;
	[tilespmem:$0x18200] =	vst v63  }
0x132: {  	v3 =	vld [tilespmem:$0x1A0];
	_ =	sdelay $0x4  }
0x133: {  	v62 =	vshrl.u32 v3, $0x3  }
0x134: {  	v4 =	vmul.u32 $0x30, v62  }
0x135: {  	v3 =	vand.u32 $0x7, v3  }
0x136: {  	v3 =	vor.u32 v3, v4  }
0x137: {  	v4 =	vperm.xlane v3, v0;
	_ =	sdelay $0x1  }
0x138: {  	v4 =	vadd.s32 v1, v4;
	_ =	sdelay $0x3  }
0x139: {  	s12 =	simm.s32 $0x12200;
	v3 =	vperm.xlane v3, v2  }
0x13a: {  	[tilespmem:s12], [sflag:$0x2] =	stream.indirect_vreg.gather [hbm4b:s1+s3], $0x80, v4, vm0, $0xb8;
	[tilespmem:$0x18200] =	vst v63  }
0x13b: {  	v3 =	vadd.s32 v1, v3;
	s12 =	simm.s32 $0x12A00  }
0x13c: {  	[tilespmem:s12], [sflag:$0x2] =	stream.indirect_vreg.gather [hbm4b:s5+s3], $0x80, v4, vm0, $0xb8;
	[tilespmem:$0x18200] =	vst v63  }
0x13d: {  	s12 =	simm.s32 $0x13200  }
0x13e: {  	[tilespmem:s12], [sflag:$0x2] =	stream.indirect_vreg.gather [hbm4b:s6+s3], $0x80, v4, vm0, $0xb8;
	[tilespmem:$0x18200] =	vst v63  }
0x13f: {  	s12 =	simm.s32 $0x13A00  }
0x140: {  	[tilespmem:s12], [sflag:$0x2] =	stream.indirect_vreg.gather [hbm4b:s1+s3], $0x80, v3, vm0, $0xb8;
	[tilespmem:$0x18200] =	vst v63  }
0x141: {  	s12 =	simm.s32 $0x14200  }
0x142: {  	[tilespmem:s12], [sflag:$0x2] =	stream.indirect_vreg.gather [hbm4b:s5+s3], $0x80, v3, vm0, $0xb8;
	[tilespmem:$0x18200] =	vst v63  }
0x143: {  	s12 =	simm.s32 $0x14A00  }
0x144: {  	[tilespmem:s12], [sflag:$0x2] =	stream.indirect_vreg.gather [hbm4b:s6+s3], $0x80, v3, vm0, $0xb8;
	[tilespmem:$0x18200] =	vst v63  }
0x145: {  	v3 =	vld [tilespmem:$0x1B0];
	_ =	sdelay $0x4  }
0x146: {  	v63 =	vshrl.u32 v3, $0x3  }
0x147: {  	v4 =	vmul.u32 $0x30, v63  }
0x148: {  	v3 =	vand.u32 $0x7, v3  }
0x149: {  	v3 =	vor.u32 v3, v4  }
0x14a: {  	v4 =	vperm.xlane v3, v0;
	_ =	sdelay $0x1  }
0x14b: {  	v4 =	vadd.s32 v1, v4;
	_ =	sdelay $0x3  }
0x14c: {  	s12 =	simm.s32 $0x15200;
	v3 =	vperm.xlane v3, v2  }
0x14d: {  	[tilespmem:s12], [sflag:$0x2] =	stream.indirect_vreg.gather [hbm4b:s1+s3], $0x80, v4, vm0, $0xb8;
	[tilespmem:$0x18200] =	vst v63  }
0x14e: {  	v3 =	vadd.s32 v1, v3;
	s12 =	simm.s32 $0x15A00  }
0x14f: {  	[tilespmem:s12], [sflag:$0x2] =	stream.indirect_vreg.gather [hbm4b:s5+s3], $0x80, v4, vm0, $0xb8;
	[tilespmem:$0x18200] =	vst v63  }
0x150: {  	s12 =	simm.s32 $0x16200  }
0x151: {  	[tilespmem:s12], [sflag:$0x2] =	stream.indirect_vreg.gather [hbm4b:s6+s3], $0x80, v4, vm0, $0xb8;
	[tilespmem:$0x18200] =	vst v63  }
0x152: {  	s12 =	simm.s32 $0x16A00  }
0x153: {  	[tilespmem:s12], [sflag:$0x2] =	stream.indirect_vreg.gather [hbm4b:s1+s3], $0x80, v3, vm0, $0xb8;
	[tilespmem:$0x18200] =	vst v63  }
0x154: {  	s12 =	simm.s32 $0x17200  }
0x155: {  	[tilespmem:s12], [sflag:$0x2] =	stream.indirect_vreg.gather [hbm4b:s5+s3], $0x80, v3, vm0, $0xb8;
	[tilespmem:$0x18200] =	vst v63  }
0x156: {  	s12 =	simm.s32 $0x17A00  }
0x157: {  	[tilespmem:s12], [sflag:$0x2] =	stream.indirect_vreg.gather [hbm4b:s6+s3], $0x80, v3, vm0, $0xb8;
	[tilespmem:$0x18200] =	vst v63  }
0x158: {  	_ =	swait.ge [sflag:s0], $0xC000  }
0x159: {  	[sflag:s0] =	ssyncset.done $0x0  }
0x15a: {  	s7 =	simm.s32 $0x200;
	s12 =	rddreg [dreg:$0x6];
	[sflag:s0] =	ssyncadd.s32 $0xFFFF4000  }
0x15b: {  	[hbm4b:s12+s3] =	stream.linear.scatter [tilespmem:s7], [sflag:$0x3], $0xC000, $0x38;
	[tilespmem:$0x18200] =	vst v63  }
0x15c: {  	_ =	swait.ge [sflag:s8], $0xC000  }
0x15d: {  	[sflag:s8] =	ssyncset.done $0x0  }
0x15e: {  	[sflag:s8] =	ssyncadd.s32 $0xFFFF4000  }
0x15f: {  	_ =	swait.ge [sflag:s2], $0xC000  }
0x160: {  	p0 =	sne.s32 s4, $0x1;
	[sflag:s2] =	ssyncset.done $0x0  }
.Ltmp0:
0x161: {  	s7 =	rddreg [dreg:$0x7];
	[sflag:s2] =	ssyncadd.s32 $0xFFFF4000;
	(pc) =	sbr.rel @p0 .LBB2_1-.Ltmp0, $4  }
0x162: {  	[hbm4b:s7+s3] =	stream.linear.scatter [tilespmem:s11], [sflag:$0x3], $0xC000, $0x38;
	[tilespmem:$0x18200] =	vst v63  }
0x163: {  	_ =	swait.ge [sflag:s8], $0xC000  }
0x164: {  	[sflag:s8] =	ssyncset.done $0x0  }
0x165: {  	s4 =	sadd.s32 $0xFFFFFFFF, s4;
	[sflag:s8] =	ssyncadd.s32 $0xFFFF4000  }
0x166: {  	_ =	sfence.sel $0x180000  }
0x167: {  	[bflag:$0x0] =	sbarrier.arrive $0xFFFF  }
0x168: {  	_ =	strace $0x90000047  }
0x169: {  	s0 =	stileid.u32;
	[bflag:$0x2] =	sbarrier.arrive $0xFFFF  }
0x16a: {  	p0 =	sne.s32 s0, $0x0;
	s0 =	rddreg [dreg:$0x3]  }
0x16b: {  	s0 =	sadd.s32 @!p0 $0x100000, s0  }
0x16c: {  	[sflag:s0] =	ssyncadd.tile.s32 @!p0 $0x1;
	_ =	shalt  }
.Lfunc_end2:
_tile_overlayer_lowered:
.L_overlay_start_2:
0x16d: {  	(tag) =	ssettag $0x2  }
0x16e: {  	s0 =	rddreg [dreg:$0x0];
	s2 =	stileid.u32  }
0x16f: {  	s1 =	rddreg [dreg:$0x1];
	p0 =	sne.s32 s2, $0x0  }
0x170: {  	s3 =	rddreg [dreg:$0x2];
	[bflag:$0x3] =	sbarrier.arrive $0xFFFF;
	s2 =	simm.s32 @!p0 $0x1C03  }
0x171: {  	[timem:s3], [sflag:s2] =	dma.local @!p0 [hbm:s0], s1  }
0x172: {  	s0 =	simm.s32 @!p0 $0x3  }
0x173: {  	_ =	swait.ge @!p0 [sflag:s0], s1  }
0x174: {  	s1 =	ssub.s32 @!p0 $0x0, s1;
	[sflag:s0] =	ssyncset.done @!p0 $0x0  }
0x175: {  	[sflag:s0] =	ssyncadd.s32 @!p0 s1  }
0x176: {  	[bflag:$0x3] =	sbarrier.arrive $0xFFFF  }
0x177: {  	_ =	shalt  }

// kernel: kernel.9.cloned.1.call-start
scs
__scs_entry_jumppad:
0x0: {  	(pc) =	sbr.rel $0x88, $3  }
0x1: {  	(tag) =	ssettag $0x0;
	lr =	simm.s32 $0x1  }
0x2: {  	[smem:$0x3F9A] =	sst lr;
	_ =	strace $0xD0000000  }
0x3: {  	_ = 	snop  }
0x4: {  	_ = 	snop  }
0x5: {  	_ = 	snop  }
0x6: {  	_ = 	snop  }
0x7: {  	_ = 	snop  }
__scs_overlays_trampoline_lowered:
0x8: {  	[smem:$0x3FA9] =	sst s0  }
0x9: {  	[smem:$0x3FAA] =	sst s1  }
0xa: {  	[smem:$0x3FAB] =	sst s2  }
0xb: {  	[smem:$0x3FAC] =	sst s3  }
0xc: {  	[smem:$0x3FAD] =	sst s4  }
0xd: {  	[smem:$0x3FAE] =	sst s5  }
0xe: {  	[smem:$0x3FAF] =	sst s6  }
0xf: {  	[smem:$0x3FB0] =	sst s7  }
0x10: {  	[smem:$0x3FB1] =	sst s8  }
0x11: {  	[smem:$0x3FB2] =	sst s9;
	s0 =	simm.s32 @!p0 $0x0  }
0x12: {  	s1 =	sld [smem:$0x3F98];
	s0 =	simm.s32 @p0 $0x1  }
0x13: {  	[smem:$0x3FB3] =	sst s0;
	s0 =	simm.s32 @!p1 $0x0  }
0x14: {  	s2 =	sld [smem:$0x3F97];
	s0 =	simm.s32 @p1 $0x1  }
0x15: {  	[smem:$0x3FB4] =	sst s0;
	s0 =	simm.s32 @!p2 $0x0  }
0x16: {  	s3 =	sld [smem:$0x3FDB];
	s0 =	simm.s32 @p2 $0x1  }
0x17: {  	s4 =	simm.s32 $0x1BF5;
	[smem:$0x3FB6] =	sst s0  }
0x18: {  	s0 =	sld [smem:$0x3F99];
	_ =	swait.ge [sflag:s4], $0x0  }
0x19: {  	s7 =	sld [smem:$0x3F9A]  }
0x1a: {  	s8 =	sadd.s32 $0xFFFFE003, lr  }
0x1b: {  	s9 =	sadd.s32 $0xFFFFFEF7, lr;
	s5 =	simm.s32 $0xFFFFFFFF;
	p2 =	slt.u32 s8, $0xFFFFF086  }
0x1c: {  	p1 =	slt.u32 s9, $0xF7A;
	s5 =	simm.s32 @!p2 $0x0  }
0x1d: {  	s5 =	simm.s32 @p1 $0x1;
	p0 =	seq.s32 s7, s2  }
0x1e: {  	s7 =	smul.u32 @!p0 $0xF7A, s2;
	p2 =	seq.s32 @!p0 s5, $0x0  }
0x1f: {  	s9 =	smul.u32 $0xF7A, s1;
	s8 =	simm.s32 @!p0 $0x1BF5;
	p2 =	por !p2, p0  }
0x20: {  	[sflag:s8] =	ssyncset.s32 @!p0 $0xFFFFF086;
	s6 =	sadd.s32 @!p0 s3, s7;
	s7 =	simm.s32 @!p0 $0x108  }
0x21: {  	s3 =	sadd.s32 s3, s9;
	s6 =	sadd.s32 @!p0 $0x88, s6;
	s7 =	simm.s32 @p2 $0x1082  }
0x22: {  	[simem:s7], [sflag:s8] =	dma.local @!p0 [hbm:s6], $0xF7A  }
0x23: {  	s9 =	sor.u32 $0xD0000000, s2;
	s6 =	simm.s32 $0x108;
	_ =	swait.ge @!p0 [sflag:s8], $0x0  }
0x24: {  	s3 =	sadd.s32 $0x88, s3;
	s6 =	simm.s32 @!p1 $0x1082;
	[sflag:s4] =	ssyncset.s32 $0xFFFFF086  }
0x25: {  	[simem:s6], [sflag:s4] =	dma.local [hbm:s3], $0xF7A  }
0x26: {  	[smem:$0x3F9A] =	sst s1;
	(tag) =	ssettag s2;
	_ =	strace s9  }
0x27: {  	s1 =	sld [smem:$0x3FAA]  }
0x28: {  	s2 =	sld [smem:$0x3FAB]  }
0x29: {  	s4 =	sld [smem:$0x3FAD]  }
0x2a: {  	p0 =	seq.s32 s5, $0x0;
	s5 =	sld [smem:$0x3FAE]  }
0x2b: {  	s6 =	sld [smem:$0x3FAF]  }
0x2c: {  	s7 =	sld [smem:$0x3FB0]  }
0x2d: {  	s3 =	simm.s32 $0x108;
	s8 =	sld [smem:$0x3FB1]  }
0x2e: {  	s3 =	simm.s32 @!p0 $0x1082;
	s9 =	sld [smem:$0x3FB2]  }
0x2f: {  	lr =	sadd.s32 s0, s3;
	s0 =	sld [smem:$0x3FA9]  }
0x30: {  	s3 =	sld [smem:$0x3FAC]  }
0x31: {  	[smem:$0x3FB5] =	sst s10  }
0x32: {  	s10 =	sld [smem:$0x3FB3];
	_ =	sdelay $0x3  }
0x33: {  	p0 =	seq.s32 s10, $0x1;
	s10 =	sld [smem:$0x3FB5];
	_ =	sdelay $0x3  }
0x34: {  	[smem:$0x3FB5] =	sst s10  }
0x35: {  	s10 =	sld [smem:$0x3FB4];
	_ =	sdelay $0x3  }
0x36: {  	p1 =	seq.s32 s10, $0x1;
	s10 =	sld [smem:$0x3FB5];
	_ =	sdelay $0x3  }
0x37: {  	[smem:$0x3FB5] =	sst s10  }
0x38: {  	s10 =	sld [smem:$0x3FB6]  }
0x39: {  	_ = 	snop;
	(pc) =	sbr.ind lr, $3  }
0x3a: {  	_ = 	snop  }
0x3b: {  	_ = 	snop  }
0x3c: {  	p2 =	seq.s32 s10, $0x1;
	s10 =	sld [smem:$0x3FB5]  }
0x3d: {  	_ =	shalt  }
0x3e: {  	_ =	shalt  }
0x3f: {  	_ =	shalt  }
0x40: {  	_ =	shalt  }
0x41: {  	_ =	shalt  }
0x42: {  	_ =	shalt  }
0x43: {  	_ =	shalt  }
0x44: {  	_ =	shalt  }
0x45: {  	_ =	shalt  }
0x46: {  	_ =	shalt  }
0x47: {  	_ =	shalt  }
0x48: {  	_ =	shalt  }
0x49: {  	_ =	shalt  }
0x4a: {  	_ =	shalt  }
0x4b: {  	_ =	shalt  }
0x4c: {  	_ =	shalt  }
0x4d: {  	_ =	shalt  }
0x4e: {  	_ =	shalt  }
0x4f: {  	_ =	shalt  }
0x50: {  	_ =	shalt  }
0x51: {  	_ =	shalt  }
0x52: {  	_ =	shalt  }
0x53: {  	_ =	shalt  }
0x54: {  	_ =	shalt  }
0x55: {  	_ =	shalt  }
0x56: {  	_ =	shalt  }
0x57: {  	_ =	shalt  }
0x58: {  	_ =	shalt  }
0x59: {  	_ =	shalt  }
0x5a: {  	_ =	shalt  }
0x5b: {  	_ =	shalt  }
0x5c: {  	_ =	shalt  }
0x5d: {  	_ =	shalt  }
0x5e: {  	_ =	shalt  }
0x5f: {  	_ =	shalt  }
0x60: {  	_ =	shalt  }
0x61: {  	_ =	shalt  }
0x62: {  	_ =	shalt  }
0x63: {  	_ =	shalt  }
0x64: {  	_ =	shalt  }
0x65: {  	_ =	shalt  }
0x66: {  	_ =	shalt  }
0x67: {  	_ =	shalt  }
0x68: {  	_ =	shalt  }
0x69: {  	_ =	shalt  }
0x6a: {  	_ =	shalt  }
0x6b: {  	_ =	shalt  }
0x6c: {  	_ =	shalt  }
0x6d: {  	_ =	shalt  }
0x6e: {  	_ =	shalt  }
0x6f: {  	_ =	shalt  }
0x70: {  	_ =	shalt  }
0x71: {  	_ =	shalt  }
0x72: {  	_ =	shalt  }
0x73: {  	_ =	shalt  }
0x74: {  	_ =	shalt  }
0x75: {  	_ =	shalt  }
0x76: {  	_ =	shalt  }
0x77: {  	_ =	shalt  }
0x78: {  	_ =	shalt  }
0x79: {  	_ =	shalt  }
0x7a: {  	_ =	shalt  }
0x7b: {  	_ =	shalt  }
0x7c: {  	_ =	shalt  }
0x7d: {  	_ =	shalt  }
0x7e: {  	_ =	shalt  }
0x7f: {  	_ =	shalt  }
0x80: {  	_ =	shalt  }
0x81: {  	_ =	shalt  }
0x82: {  	_ =	shalt  }
0x83: {  	_ =	shalt  }
0x84: {  	_ =	shalt  }
0x85: {  	_ =	shalt  }
0x86: {  	_ =	shalt  }
0x87: {  	_ =	shalt  }
.Lfunc_end0:
.L_simem_size_0:
called_computation.1_lowered:
.L_overlay_start_0:
0x88: {  	s2 =	sld [smem:$0x3FD9]  }
0x89: {  	s3 =	sld [smem:$0x3FFE];
	_ =	sdelay $0x1  }
0x8a: {  	s1 =	srdreg.scid  }
0x8b: {  	s0 =	sand.u32 $0x1, s1  }
0x8c: {  	s17 =	sshll.u32 s0, $0xA;
	s2 =	sadd.s32 s3, s2  }
0x8d: {  	s2 =	sadd.s32 s2, s17  }
0x8e: {  	[smem:$0x3FC1] =	sst s2  }
0x8f: {  	_ = 	snop  }
0x90: {  	s18 =	sld [smem:$0x3FC7];
	(tm) =	ssettm $0x1  }
0x91: {  	s19 =	sld [smem:$0x3FFB];
	_ =	sdelay $0x3  }
0x92: {  	_ =	strace s19  }
0x93: {  	s2 =	sld [smem:$0x3FFC];
	_ =	sdelay $0x3  }
0x94: {  	_ =	strace s2  }
0x95: {  	s2 =	sld [smem:$0x3FFD];
	_ =	sdelay $0x3  }
0x96: {  	_ =	strace s2  }
0x97: {  	_ =	strace $0x8FFFFFFF  }
0x98: {  	s20 =	sld [smem:$0x3FDB];
	_ =	sdelay $0x1  }
0x99: {  	s4 =	simm.s32 $_scs_section_size  }
0x9a: {  	s5 =	simm.s32 $_size__tile_overlayer_lowered;
	s6 =	simm.s32 $_tile_overlayer_lowered  }
0x9b: {  	s7 =	simm.s32 $0x1BFF;
	s21 =	sshll.u32 s6, $0x1;
	s4 =	sadd.s32 s4, s20  }
0x9c: {  	s22 =	simm.s32 $0x0;
	s5 =	sshll.u32 s5, $0x1;
	s6 =	sadd.s32 s21, s4  }
0x9d: {  	[timem:s22], [sflag:s7] =	dma.local [hbm:s6], s5  }
0x9e: {  	_ =	swait.ge [sflag:s7], s5  }
0x9f: {  	s5 =	ssub.s32 $0x0, s5;
	[sflag:s7] =	ssyncset.done $0x0  }
0xa0: {  	[sflag:s7] =	ssyncadd.s32 s5;
	_ =	sdelay $0x1  }
0xa1: {  	s23 =	simm.s32 $0x1B8B  }
0xa2: {  	_ =	swait.ge [sflag:s23], $0x1  }
0xa3: {  	[sflag:s23] =	ssyncset.done $0x0  }
0xa4: {  	[sflag:s23] =	ssyncadd.s32 $0xFFFFFFFF  }
0xa5: {  	s5 =	sld [smem:$0x0]  }
0xa6: {  	s6 =	sand.u32 $0xFFFFFFFE, s1  }
0xa7: {  	p0 =	sne.s32 s1, s6  }
0xa8: {  	s6 =	sshll.u32 @p0 s6, $0xE  }
0xa9: {  	s6 =	sadd.s32 @p0 $0x11B8D, s6;
	s7 =	sshll.u32 @p0 s5, $0x11  }
0xaa: {  	s6 =	sor.u32 @p0 s7, s6  }
0xab: {  	[sflag:s6] =	ssyncadd.remote.s32 @p0 $0x1;
	_ =	sdelay $0x1  }
0xac: {  	s6 =	simm.s32 @p0 $0x1B8D  }
0xad: {  	_ =	swait.eq @p0 [sflag:s6], $0x1  }
0xae: {  	[sflag:s6] =	ssyncadd.s32 @p0 $0xFFFFFFFF  }
0xaf: {  	s7 =	sshll.u32 @!p0 s1, $0xE  }
0xb0: {  	s7 =	sor.u32 @!p0 $0x4000, s7;
	s6 =	simm.s32 @!p0 $0x1B8D  }
0xb1: {  	s5 =	sshll.u32 @!p0 s5, $0x11;
	s7 =	sadd.s32 @!p0 $0x11B8D, s7;
	_ =	swait.eq @!p0 [sflag:s6], $0x1  }
0xb2: {  	s5 =	sor.u32 @!p0 s5, s7;
	[sflag:s6] =	ssyncadd.s32 @!p0 $0xFFFFFFFF  }
0xb3: {  	s25 =	simm.s32 $0x1B8E;
	s24 =	sld [smem:$0x3FFE];
	[sflag:s5] =	ssyncadd.remote.s32 @!p0 $0x1  }
0xb4: {  	s26 =	simm.s32 $execute0_lowered;
	[smem:$0x3FD2] =	sst s25  }
0xb5: {  	s6 =	sshll.u32 s26, $0x1;
	_ =	strace $0x80000049;
	[dreg:$0x1] =	wrdreg $0xFFFFFFFF  }
0xb6: {  	s28 =	simm.s32 $_size_execute0_lowered;
	s4 =	sadd.s32 s4, s6;
	[dreg:$0x0] =	wrdreg $0x0  }
0xb7: {  	s6 =	sshll.u32 s28, $0x1;
	[dreg:$0x2] =	wrdreg s4  }
0xb8: {  	[dreg:$0x3] =	wrdreg s6  }
0xb9: {  	[dreg:$0x4] =	wrdreg $0xC0  }
0xba: {  	_ =	task [dreg:s22], $0x5FFFF  }
0xbb: {  	[dreg:$0x1] =	wrdreg $0xFFFFFFFF  }
0xbc: {  	[dreg:$0x0] =	wrdreg $0x60  }
0xbd: {  	[dreg:$0x2] =	wrdreg s18  }
0xbe: {  	[dreg:$0x3] =	wrdreg s24  }
0xbf: {  	[dreg:$0x4] =	wrdreg $0xA  }
0xc0: {  	_ =	task.clear_ibuf [dreg:s22], $0x5FFFF;
	_ =	strace $0x90000049  }
0xc1: {  	s29 =	simm.s32 $0xA;
	_ =	strace $0x8000004B  }
0xc2: {  	_ =	swait.ge [sflag:s29], $0x1  }
0xc3: {  	[sflag:s29] =	ssyncadd.s32 $0xFFFFFFFF  }
0xc4: {  	_ =	strace $0x9000004B  }
0xc5: {  	_ =	sfence  }
0xc6: {  	s30 =	sld [smem:$0x0];
	_ =	sdelay $0x2  }
0xc7: {  	s31 =	sshll.u32 s1, $0xD;
	s1 =	sshrl.u32 s1, $0x2  }
0xc8: {  	s4 =	sand.u32 $0x4000, s31;
	s1 =	sadd.s32 s1, s30  }
0xc9: {  	s0 =	sor.u32 s4, s0;
	s1 =	sshll.u32 s1, $0x11  }
0xca: {  	s0 =	sor.u32 s1, s0  }
0xcb: {  	s0 =	sadd.s32 $0x8F2B, s0  }
0xcc: {  	[sflag:s0] =	ssyncadd.remote.s32 $0x1  }
0xcd: {  	_ =	sfence.sel $0xFFFF  }
0xce: {  	[dreg:$0x0] =	wrdreg $0xFFFFFFFF;
	(pc) =	sbr.abs _section_cstart, $3  }
0xcf: {  	[dreg:$0x1] =	wrdreg $0xFFFFFFFF  }
0xd0: {  	_ =	task.clear_ibuf [dreg:s22], $0x2FFFF;
	_ =	strace $0x9FFFFFFF  }
0xd1: {  	(tm) =	ssettm $0x7FFFFFFF  }
tec
execute0_lowered:
.L_overlay_start_1:
0x0: {  	(tag) =	ssettag $0x1  }
0x1: {  	s2 =	rddreg [dreg:$0x0]  }
0x2: {  	s0 =	rddreg [dreg:$0x1]  }
0x3: {  	s1 =	srdreg.scid;
	s4 =	stileid.u32  }
0x4: {  	s3 =	simm.s32 $0x0;
	s8 =	simm.s32 $0x3;
	s13 =	simm.s32 $0xA00  }
0x5: {  	s14 =	simm.s32 $0x1200;
	s15 =	simm.s32 $0x1A00;
	s16 =	simm.s32 $0x2200  }
0x6: {  	s17 =	simm.s32 $0x2A00;
	s18 =	simm.s32 $0x3200;
	s19 =	simm.s32 $0x3A00  }
0x7: {  	s20 =	simm.s32 $0x4200;
	s21 =	simm.s32 $0x4A00;
	s22 =	simm.s32 $0x5200  }
0x8: {  	s23 =	simm.s32 $0x5A00;
	s24 =	simm.s32 $0x6200;
	s25 =	simm.s32 $0x6A00  }
0x9: {  	s26 =	simm.s32 $0x7200;
	s28 =	simm.s32 $0x7A00;
	s29 =	simm.s32 $0x8200  }
0xa: {  	s30 =	simm.s32 $0x8A00;
	s31 =	simm.s32 $0x9200;
	s9 =	simm.s32 $0xAA00  }
0xb: {  	s10 =	simm.s32 $0xBA00;
	s1 =	sand.u32 $0x1, s1;
	s4 =	sshll.u32 s4, $0x1  }
0xc: {  	s11 =	simm.s32 $0xC200;
	[smem:$0x7FF] =	sst s3;
	s4 =	sor.u32 s1, s4  }
0xd: {  	_ =	strace $0x8000004A;
	s5 =	smul.u32 $0x6000, s4;
	s6 =	sshll.u32 s4, $0x6  }
0xe: {  	s1 =	ssub.s32 $0x2, s1;
	s4 =	smul.u32 $0x30000, s4;
	s6 =	sadd.s32 s6, s0  }
0xf: {  	s7 =	sshrl.u32 s1, $0x1;
	s0 =	sadd.s32 $0xC2000, s0;
	s6 =	sadd.s32 $0xC1800, s6  }
0x10: {  	s5 =	sadd.s32 s0, s5;
	s4 =	sshrl.u32 s4, $0x3;
	[dreg:$0x3] =	wrdreg s6  }
0x11: {  	[dreg:$0x7] =	wrdreg s5;
	s5 =	sadd.s32 $0x1800, s5;
	s0 =	sadd.s32 s0, s4  }
0x12: {  	v2 =	vlaneseq.u32;
	s1 =	ssub.s32 s1, s7;
	[dreg:$0x4] =	wrdreg s5;
	s4 =	sadd.s32 $0x3000, s0  }
0x13: {  	vm0 =	vmmov $0xffff;
	v1 =	vshrl.u32 v2, $0x3;
	s6 =	sadd.s32 $0x200, s2;
	s0 =	sadd.s32 $0x4800, s0;
	[dreg:$0x5] =	wrdreg s4  }
0x14: {  	v0 =	vand.u32 $0x7, v2;
	v2 =	vor.u32 $0x8, v2;
	v1 =	vmul.u32 $0x8, v1;
	s5 =	sadd.s32 $0x100, s2;
	[dreg:$0x6] =	wrdreg s0;
	s4 =	smax.u32 s1, $0x1  }
.LBB2_1:
0x15: {  	s12 =	rddreg [dreg:$0x3]  }
0x16: {  	[tilespmem:s3], [sflag:$0x3] =	stream.linear.gather [hbm4b:s12+s3], $0x200, $0x38;
	[tilespmem:$0x18200] =	vst v63  }
0x17: {  	_ =	swait.ge [sflag:s8], $0x200  }
0x18: {  	[sflag:s8] =	ssyncset.done $0x0  }
0x19: {  	[sflag:s8] =	ssyncadd.s32 $0xFFFFFE00  }
0x1a: {  	v3 =	vld [tilespmem:$0x0];
	_ =	sdelay $0x4  }
0x1b: {  	v4 =	vshrl.u32 v3, $0x3  }
0x1c: {  	v4 =	vmul.u32 $0x30, v4  }
0x1d: {  	v3 =	vand.u32 $0x7, v3  }
0x1e: {  	v3 =	vor.u32 v3, v4  }
0x1f: {  	v4 =	vperm.xlane v3, v0;
	_ =	sdelay $0x1  }
0x20: {  	v4 =	vadd.s32 v1, v4;
	_ =	sdelay $0x3  }
0x21: {  	s0 =	simm.s32 $0x200;
	v3 =	vperm.xlane v3, v2  }
0x22: {  	[tilespmem:s0], [sflag:$0x1] =	stream.indirect_vreg.gather [hbm4b:s2+s3], $0x80, v4, vm0, $0xb8;
	[tilespmem:$0x18200] =	vst v63  }
0x23: {  	v3 =	vadd.s32 v1, v3  }
0x24: {  	[tilespmem:s13], [sflag:$0x1] =	stream.indirect_vreg.gather [hbm4b:s5+s3], $0x80, v4, vm0, $0xb8;
	[tilespmem:$0x18200] =	vst v63  }
0x25: {  	_ = 	snop  }
0x26: {  	[tilespmem:s14], [sflag:$0x1] =	stream.indirect_vreg.gather [hbm4b:s6+s3], $0x80, v4, vm0, $0xb8;
	[tilespmem:$0x18200] =	vst v63  }
0x27: {  	_ = 	snop  }
0x28: {  	[tilespmem:s15], [sflag:$0x1] =	stream.indirect_vreg.gather [hbm4b:s2+s3], $0x80, v3, vm0, $0xb8;
	[tilespmem:$0x18200] =	vst v63  }
0x29: {  	_ = 	snop  }
0x2a: {  	[tilespmem:s16], [sflag:$0x1] =	stream.indirect_vreg.gather [hbm4b:s5+s3], $0x80, v3, vm0, $0xb8;
	[tilespmem:$0x18200] =	vst v63  }
0x2b: {  	_ = 	snop  }
0x2c: {  	[tilespmem:s17], [sflag:$0x1] =	stream.indirect_vreg.gather [hbm4b:s6+s3], $0x80, v3, vm0, $0xb8;
	[tilespmem:$0x18200] =	vst v63  }
0x2d: {  	v3 =	vld [tilespmem:$0x10];
	_ =	sdelay $0x4  }
0x2e: {  	v49 =	vshrl.u32 v3, $0x3  }
0x2f: {  	v4 =	vmul.u32 $0x30, v49  }
0x30: {  	v3 =	vand.u32 $0x7, v3  }
0x31: {  	v3 =	vor.u32 v3, v4  }
0x32: {  	v4 =	vperm.xlane v3, v0;
	_ =	sdelay $0x1  }
0x33: {  	v4 =	vadd.s32 v1, v4;
	_ =	sdelay $0x3  }
0x34: {  	v3 =	vperm.xlane v3, v2  }
0x35: {  	[tilespmem:s18], [sflag:$0x1] =	stream.indirect_vreg.gather [hbm4b:s2+s3], $0x80, v4, vm0, $0xb8;
	[tilespmem:$0x18200] =	vst v63  }
0x36: {  	v3 =	vadd.s32 v1, v3  }
0x37: {  	[tilespmem:s19], [sflag:$0x1] =	stream.indirect_vreg.gather [hbm4b:s5+s3], $0x80, v4, vm0, $0xb8;
	[tilespmem:$0x18200] =	vst v63  }
0x38: {  	_ = 	snop  }
0x39: {  	[tilespmem:s20], [sflag:$0x1] =	stream.indirect_vreg.gather [hbm4b:s6+s3], $0x80, v4, vm0, $0xb8;
	[tilespmem:$0x18200] =	vst v63  }
0x3a: {  	_ = 	snop  }
0x3b: {  	[tilespmem:s21], [sflag:$0x1] =	stream.indirect_vreg.gather [hbm4b:s2+s3], $0x80, v3, vm0, $0xb8;
	[tilespmem:$0x18200] =	vst v63  }
0x3c: {  	_ = 	snop  }
0x3d: {  	[tilespmem:s22], [sflag:$0x1] =	stream.indirect_vreg.gather [hbm4b:s5+s3], $0x80, v3, vm0, $0xb8;
	[tilespmem:$0x18200] =	vst v63  }
0x3e: {  	_ = 	snop  }
0x3f: {  	[tilespmem:s23], [sflag:$0x1] =	stream.indirect_vreg.gather [hbm4b:s6+s3], $0x80, v3, vm0, $0xb8;
	[tilespmem:$0x18200] =	vst v63  }
0x40: {  	v3 =	vld [tilespmem:$0x20];
	_ =	sdelay $0x4  }
0x41: {  	v50 =	vshrl.u32 v3, $0x3  }
0x42: {  	v4 =	vmul.u32 $0x30, v50  }
0x43: {  	v3 =	vand.u32 $0x7, v3  }
0x44: {  	v3 =	vor.u32 v3, v4  }
0x45: {  	v4 =	vperm.xlane v3, v0;
	_ =	sdelay $0x1  }
0x46: {  	v4 =	vadd.s32 v1, v4;
	_ =	sdelay $0x3  }
0x47: {  	v3 =	vperm.xlane v3, v2  }
0x48: {  	[tilespmem:s24], [sflag:$0x1] =	stream.indirect_vreg.gather [hbm4b:s2+s3], $0x80, v4, vm0, $0xb8;
	[tilespmem:$0x18200] =	vst v63  }
0x49: {  	v3 =	vadd.s32 v1, v3  }
0x4a: {  	[tilespmem:s25], [sflag:$0x1] =	stream.indirect_vreg.gather [hbm4b:s5+s3], $0x80, v4, vm0, $0xb8;
	[tilespmem:$0x18200] =	vst v63  }
0x4b: {  	_ = 	snop  }
0x4c: {  	[tilespmem:s26], [sflag:$0x1] =	stream.indirect_vreg.gather [hbm4b:s6+s3], $0x80, v4, vm0, $0xb8;
	[tilespmem:$0x18200] =	vst v63  }
0x4d: {  	_ = 	snop  }
0x4e: {  	[tilespmem:s28], [sflag:$0x1] =	stream.indirect_vreg.gather [hbm4b:s2+s3], $0x80, v3, vm0, $0xb8;
	[tilespmem:$0x18200] =	vst v63  }
0x4f: {  	_ = 	snop  }
0x50: {  	[tilespmem:s29], [sflag:$0x1] =	stream.indirect_vreg.gather [hbm4b:s5+s3], $0x80, v3, vm0, $0xb8;
	[tilespmem:$0x18200] =	vst v63  }
0x51: {  	_ = 	snop  }
0x52: {  	[tilespmem:s30], [sflag:$0x1] =	stream.indirect_vreg.gather [hbm4b:s6+s3], $0x80, v3, vm0, $0xb8;
	[tilespmem:$0x18200] =	vst v63  }
0x53: {  	v3 =	vld [tilespmem:$0x30];
	_ =	sdelay $0x4  }
0x54: {  	v51 =	vshrl.u32 v3, $0x3  }
0x55: {  	v4 =	vmul.u32 $0x30, v51  }
0x56: {  	v3 =	vand.u32 $0x7, v3  }
0x57: {  	v3 =	vor.u32 v3, v4  }
0x58: {  	v4 =	vperm.xlane v3, v0;
	_ =	sdelay $0x1  }
0x59: {  	v4 =	vadd.s32 v1, v4;
	_ =	sdelay $0x3  }
0x5a: {  	v3 =	vperm.xlane v3, v2  }
0x5b: {  	[tilespmem:s31], [sflag:$0x1] =	stream.indirect_vreg.gather [hbm4b:s2+s3], $0x80, v4, vm0, $0xb8;
	[tilespmem:$0x18200] =	vst v63  }
0x5c: {  	s7 =	simm.s32 $0x9A00;
	v3 =	vadd.s32 v1, v3  }
0x5d: {  	[tilespmem:s7], [sflag:$0x1] =	stream.indirect_vreg.gather [hbm4b:s5+s3], $0x80, v4, vm0, $0xb8;
	[tilespmem:$0x18200] =	vst v63  }
0x5e: {  	s1 =	simm.s32 $0xA200  }
0x5f: {  	[tilespmem:s1], [sflag:$0x1] =	stream.indirect_vreg.gather [hbm4b:s6+s3], $0x80, v4, vm0, $0xb8;
	[tilespmem:$0x18200] =	vst v63  }
0x60: {  	_ = 	snop  }
0x61: {  	[tilespmem:s9], [sflag:$0x1] =	stream.indirect_vreg.gather [hbm4b:s2+s3], $0x80, v3, vm0, $0xb8;
	[tilespmem:$0x18200] =	vst v63  }
0x62: {  	s12 =	simm.s32 $0xB200  }
0x63: {  	[tilespmem:s12], [sflag:$0x1] =	stream.indirect_vreg.gather [hbm4b:s5+s3], $0x80, v3, vm0, $0xb8;
	[tilespmem:$0x18200] =	vst v63  }
0x64: {  	_ = 	snop  }
0x65: {  	[tilespmem:s10], [sflag:$0x1] =	stream.indirect_vreg.gather [hbm4b:s6+s3], $0x80, v3, vm0, $0xb8;
	[tilespmem:$0x18200] =	vst v63  }
0x66: {  	v3 =	vld [tilespmem:$0x80];
	_ =	sdelay $0x4  }
0x67: {  	v52 =	vshrl.u32 v3, $0x3  }
0x68: {  	v4 =	vmul.u32 $0x30, v52  }
0x69: {  	v3 =	vand.u32 $0x7, v3  }
0x6a: {  	v3 =	vor.u32 v3, v4  }
0x6b: {  	v4 =	vperm.xlane v3, v0;
	_ =	sdelay $0x1  }
0x6c: {  	v4 =	vadd.s32 v1, v4;
	_ =	sdelay $0x3  }
0x6d: {  	v3 =	vperm.xlane v3, v2  }
0x6e: {  	[tilespmem:s11], [sflag:$0x2] =	stream.indirect_vreg.gather [hbm4b:s2+s3], $0x80, v4, vm0, $0xb8;
	[tilespmem:$0x18200] =	vst v63  }
0x6f: {  	s7 =	simm.s32 $0xCA00;
	v3 =	vadd.s32 v1, v3  }
0x70: {  	[tilespmem:s7], [sflag:$0x2] =	stream.indirect_vreg.gather [hbm4b:s5+s3], $0x80, v4, vm0, $0xb8;
	[tilespmem:$0x18200] =	vst v63  }
0x71: {  	s12 =	simm.s32 $0xD200  }
0x72: {  	[tilespmem:s12], [sflag:$0x2] =	stream.indirect_vreg.gather [hbm4b:s6+s3], $0x80, v4, vm0, $0xb8;
	[tilespmem:$0x18200] =	vst v63  }
0x73: {  	s7 =	simm.s32 $0xDA00  }
0x74: {  	[tilespmem:s7], [sflag:$0x2] =	stream.indirect_vreg.gather [hbm4b:s2+s3], $0x80, v3, vm0, $0xb8;
	[tilespmem:$0x18200] =	vst v63  }
0x75: {  	s12 =	simm.s32 $0xE200  }
0x76: {  	[tilespmem:s12], [sflag:$0x2] =	stream.indirect_vreg.gather [hbm4b:s5+s3], $0x80, v3, vm0, $0xb8;
	[tilespmem:$0x18200] =	vst v63  }
0x77: {  	s7 =	simm.s32 $0xEA00  }
0x78: {  	[tilespmem:s7], [sflag:$0x2] =	stream.indirect_vreg.gather [hbm4b:s6+s3], $0x80, v3, vm0, $0xb8;
	[tilespmem:$0x18200] =	vst v63  }
0x79: {  	v3 =	vld [tilespmem:$0x90];
	_ =	sdelay $0x4  }
0x7a: {  	v53 =	vshrl.u32 v3, $0x3  }
0x7b: {  	v4 =	vmul.u32 $0x30, v53  }
0x7c: {  	v3 =	vand.u32 $0x7, v3  }
0x7d: {  	v3 =	vor.u32 v3, v4  }
0x7e: {  	v4 =	vperm.xlane v3, v0;
	_ =	sdelay $0x1  }
0x7f: {  	v4 =	vadd.s32 v1, v4;
	_ =	sdelay $0x3  }
0x80: {  	s12 =	simm.s32 $0xF200;
	v3 =	vperm.xlane v3, v2  }
0x81: {  	[tilespmem:s12], [sflag:$0x2] =	stream.indirect_vreg.gather [hbm4b:s2+s3], $0x80, v4, vm0, $0xb8;
	[tilespmem:$0x18200] =	vst v63  }
0x82: {  	s7 =	simm.s32 $0xFA00;
	v3 =	vadd.s32 v1, v3  }
0x83: {  	[tilespmem:s7], [sflag:$0x2] =	stream.indirect_vreg.gather [hbm4b:s5+s3], $0x80, v4, vm0, $0xb8;
	[tilespmem:$0x18200] =	vst v63  }
0x84: {  	s12 =	simm.s32 $0x10200  }
0x85: {  	[tilespmem:s12], [sflag:$0x2] =	stream.indirect_vreg.gather [hbm4b:s6+s3], $0x80, v4, vm0, $0xb8;
	[tilespmem:$0x18200] =	vst v63  }
0x86: {  	s7 =	simm.s32 $0x10A00  }
0x87: {  	[tilespmem:s7], [sflag:$0x2] =	stream.indirect_vreg.gather [hbm4b:s2+s3], $0x80, v3, vm0, $0xb8;
	[tilespmem:$0x18200] =	vst v63  }
0x88: {  	s12 =	simm.s32 $0x11200  }
0x89: {  	[tilespmem:s12], [sflag:$0x2] =	stream.indirect_vreg.gather [hbm4b:s5+s3], $0x80, v3, vm0, $0xb8;
	[tilespmem:$0x18200] =	vst v63  }
0x8a: {  	s7 =	simm.s32 $0x11A00  }
0x8b: {  	[tilespmem:s7], [sflag:$0x2] =	stream.indirect_vreg.gather [hbm4b:s6+s3], $0x80, v3, vm0, $0xb8;
	[tilespmem:$0x18200] =	vst v63  }
0x8c: {  	v3 =	vld [tilespmem:$0xA0];
	_ =	sdelay $0x4  }
0x8d: {  	v54 =	vshrl.u32 v3, $0x3  }
0x8e: {  	v4 =	vmul.u32 $0x30, v54  }
0x8f: {  	v3 =	vand.u32 $0x7, v3  }
0x90: {  	v3 =	vor.u32 v3, v4  }
0x91: {  	v4 =	vperm.xlane v3, v0;
	_ =	sdelay $0x1  }
0x92: {  	v4 =	vadd.s32 v1, v4;
	_ =	sdelay $0x3  }
0x93: {  	s12 =	simm.s32 $0x12200;
	v3 =	vperm.xlane v3, v2  }
0x94: {  	[tilespmem:s12], [sflag:$0x2] =	stream.indirect_vreg.gather [hbm4b:s2+s3], $0x80, v4, vm0, $0xb8;
	[tilespmem:$0x18200] =	vst v63  }
0x95: {  	s7 =	simm.s32 $0x12A00;
	v3 =	vadd.s32 v1, v3  }
0x96: {  	[tilespmem:s7], [sflag:$0x2] =	stream.indirect_vreg.gather [hbm4b:s5+s3], $0x80, v4, vm0, $0xb8;
	[tilespmem:$0x18200] =	vst v63  }
0x97: {  	s12 =	simm.s32 $0x13200  }
0x98: {  	[tilespmem:s12], [sflag:$0x2] =	stream.indirect_vreg.gather [hbm4b:s6+s3], $0x80, v4, vm0, $0xb8;
	[tilespmem:$0x18200] =	vst v63  }
0x99: {  	s7 =	simm.s32 $0x13A00  }
0x9a: {  	[tilespmem:s7], [sflag:$0x2] =	stream.indirect_vreg.gather [hbm4b:s2+s3], $0x80, v3, vm0, $0xb8;
	[tilespmem:$0x18200] =	vst v63  }
0x9b: {  	s12 =	simm.s32 $0x14200  }
0x9c: {  	[tilespmem:s12], [sflag:$0x2] =	stream.indirect_vreg.gather [hbm4b:s5+s3], $0x80, v3, vm0, $0xb8;
	[tilespmem:$0x18200] =	vst v63  }
0x9d: {  	s7 =	simm.s32 $0x14A00  }
0x9e: {  	[tilespmem:s7], [sflag:$0x2] =	stream.indirect_vreg.gather [hbm4b:s6+s3], $0x80, v3, vm0, $0xb8;
	[tilespmem:$0x18200] =	vst v63  }
0x9f: {  	v3 =	vld [tilespmem:$0xB0];
	_ =	sdelay $0x4  }
0xa0: {  	v55 =	vshrl.u32 v3, $0x3  }
0xa1: {  	v4 =	vmul.u32 $0x30, v55  }
0xa2: {  	v3 =	vand.u32 $0x7, v3  }
0xa3: {  	v3 =	vor.u32 v3, v4  }
0xa4: {  	v4 =	vperm.xlane v3, v0;
	_ =	sdelay $0x1  }
0xa5: {  	v4 =	vadd.s32 v1, v4;
	_ =	sdelay $0x3  }
0xa6: {  	s12 =	simm.s32 $0x15200;
	v3 =	vperm.xlane v3, v2  }
0xa7: {  	[tilespmem:s12], [sflag:$0x2] =	stream.indirect_vreg.gather [hbm4b:s2+s3], $0x80, v4, vm0, $0xb8;
	[tilespmem:$0x18200] =	vst v63  }
0xa8: {  	s7 =	simm.s32 $0x15A00;
	v3 =	vadd.s32 v1, v3  }
0xa9: {  	[tilespmem:s7], [sflag:$0x2] =	stream.indirect_vreg.gather [hbm4b:s5+s3], $0x80, v4, vm0, $0xb8;
	[tilespmem:$0x18200] =	vst v63  }
0xaa: {  	s12 =	simm.s32 $0x16200  }
0xab: {  	[tilespmem:s12], [sflag:$0x2] =	stream.indirect_vreg.gather [hbm4b:s6+s3], $0x80, v4, vm0, $0xb8;
	[tilespmem:$0x18200] =	vst v63  }
0xac: {  	s7 =	simm.s32 $0x16A00  }
0xad: {  	[tilespmem:s7], [sflag:$0x2] =	stream.indirect_vreg.gather [hbm4b:s2+s3], $0x80, v3, vm0, $0xb8;
	[tilespmem:$0x18200] =	vst v63  }
0xae: {  	s12 =	simm.s32 $0x17200  }
0xaf: {  	[tilespmem:s12], [sflag:$0x2] =	stream.indirect_vreg.gather [hbm4b:s5+s3], $0x80, v3, vm0, $0xb8;
	[tilespmem:$0x18200] =	vst v63  }
0xb0: {  	s0 =	simm.s32 $0x1;
	s7 =	simm.s32 $0x17A00  }
0xb1: {  	[tilespmem:s7], [sflag:$0x2] =	stream.indirect_vreg.gather [hbm4b:s6+s3], $0x80, v3, vm0, $0xb8;
	[tilespmem:$0x18200] =	vst v63  }
0xb2: {  	_ =	swait.ge [sflag:s0], $0xC000  }
0xb3: {  	[sflag:s0] =	ssyncset.done $0x0  }
0xb4: {  	s7 =	simm.s32 $0x200;
	s12 =	rddreg [dreg:$0x7];
	[sflag:s0] =	ssyncadd.s32 $0xFFFF4000  }
0xb5: {  	[hbm4b:s12+s3] =	stream.linear.scatter [tilespmem:s7], [sflag:$0x3], $0xC000, $0x38;
	[tilespmem:$0x18200] =	vst v63  }
0xb6: {  	_ =	swait.ge [sflag:s8], $0xC000  }
0xb7: {  	[sflag:s8] =	ssyncset.done $0x0  }
0xb8: {  	[sflag:s8] =	ssyncadd.s32 $0xFFFF4000  }
0xb9: {  	v3 =	vld [tilespmem:$0x100];
	_ =	sdelay $0x4  }
0xba: {  	v56 =	vshrl.u32 v3, $0x3  }
0xbb: {  	v4 =	vmul.u32 $0x30, v56  }
0xbc: {  	v3 =	vand.u32 $0x7, v3  }
0xbd: {  	v3 =	vor.u32 v3, v4  }
0xbe: {  	v4 =	vperm.xlane v3, v0;
	_ =	sdelay $0x1  }
0xbf: {  	v4 =	vadd.s32 v1, v4;
	_ =	sdelay $0x3  }
0xc0: {  	v3 =	vperm.xlane v3, v2  }
0xc1: {  	[tilespmem:s7], [sflag:$0x1] =	stream.indirect_vreg.gather [hbm4b:s2+s3], $0x80, v4, vm0, $0xb8;
	[tilespmem:$0x18200] =	vst v63  }
0xc2: {  	v3 =	vadd.s32 v1, v3  }
0xc3: {  	[tilespmem:s13], [sflag:$0x1] =	stream.indirect_vreg.gather [hbm4b:s5+s3], $0x80, v4, vm0, $0xb8;
	[tilespmem:$0x18200] =	vst v63  }
0xc4: {  	_ = 	snop  }
0xc5: {  	[tilespmem:s14], [sflag:$0x1] =	stream.indirect_vreg.gather [hbm4b:s6+s3], $0x80, v4, vm0, $0xb8;
	[tilespmem:$0x18200] =	vst v63  }
0xc6: {  	_ = 	snop  }
0xc7: {  	[tilespmem:s15], [sflag:$0x1] =	stream.indirect_vreg.gather [hbm4b:s2+s3], $0x80, v3, vm0, $0xb8;
	[tilespmem:$0x18200] =	vst v63  }
0xc8: {  	_ = 	snop  }
0xc9: {  	[tilespmem:s16], [sflag:$0x1] =	stream.indirect_vreg.gather [hbm4b:s5+s3], $0x80, v3, vm0, $0xb8;
	[tilespmem:$0x18200] =	vst v63  }
0xca: {  	_ = 	snop  }
0xcb: {  	[tilespmem:s17], [sflag:$0x1] =	stream.indirect_vreg.gather [hbm4b:s6+s3], $0x80, v3, vm0, $0xb8;
	[tilespmem:$0x18200] =	vst v63  }
0xcc: {  	v3 =	vld [tilespmem:$0x110];
	_ =	sdelay $0x4  }
0xcd: {  	v57 =	vshrl.u32 v3, $0x3  }
0xce: {  	v4 =	vmul.u32 $0x30, v57  }
0xcf: {  	v3 =	vand.u32 $0x7, v3  }
0xd0: {  	v3 =	vor.u32 v3, v4  }
0xd1: {  	v4 =	vperm.xlane v3, v0;
	_ =	sdelay $0x1  }
0xd2: {  	v4 =	vadd.s32 v1, v4;
	_ =	sdelay $0x3  }
0xd3: {  	v3 =	vperm.xlane v3, v2  }
0xd4: {  	[tilespmem:s18], [sflag:$0x1] =	stream.indirect_vreg.gather [hbm4b:s2+s3], $0x80, v4, vm0, $0xb8;
	[tilespmem:$0x18200] =	vst v63  }
0xd5: {  	v3 =	vadd.s32 v1, v3  }
0xd6: {  	[tilespmem:s19], [sflag:$0x1] =	stream.indirect_vreg.gather [hbm4b:s5+s3], $0x80, v4, vm0, $0xb8;
	[tilespmem:$0x18200] =	vst v63  }
0xd7: {  	_ = 	snop  }
0xd8: {  	[tilespmem:s20], [sflag:$0x1] =	stream.indirect_vreg.gather [hbm4b:s6+s3], $0x80, v4, vm0, $0xb8;
	[tilespmem:$0x18200] =	vst v63  }
0xd9: {  	_ = 	snop  }
0xda: {  	[tilespmem:s21], [sflag:$0x1] =	stream.indirect_vreg.gather [hbm4b:s2+s3], $0x80, v3, vm0, $0xb8;
	[tilespmem:$0x18200] =	vst v63  }
0xdb: {  	_ = 	snop  }
0xdc: {  	[tilespmem:s22], [sflag:$0x1] =	stream.indirect_vreg.gather [hbm4b:s5+s3], $0x80, v3, vm0, $0xb8;
	[tilespmem:$0x18200] =	vst v63  }
0xdd: {  	_ = 	snop  }
0xde: {  	[tilespmem:s23], [sflag:$0x1] =	stream.indirect_vreg.gather [hbm4b:s6+s3], $0x80, v3, vm0, $0xb8;
	[tilespmem:$0x18200] =	vst v63  }
0xdf: {  	v3 =	vld [tilespmem:$0x120];
	_ =	sdelay $0x4  }
0xe0: {  	v58 =	vshrl.u32 v3, $0x3  }
0xe1: {  	v4 =	vmul.u32 $0x30, v58  }
0xe2: {  	v3 =	vand.u32 $0x7, v3  }
0xe3: {  	v3 =	vor.u32 v3, v4  }
0xe4: {  	v4 =	vperm.xlane v3, v0;
	_ =	sdelay $0x1  }
0xe5: {  	v4 =	vadd.s32 v1, v4;
	_ =	sdelay $0x3  }
0xe6: {  	v3 =	vperm.xlane v3, v2  }
0xe7: {  	[tilespmem:s24], [sflag:$0x1] =	stream.indirect_vreg.gather [hbm4b:s2+s3], $0x80, v4, vm0, $0xb8;
	[tilespmem:$0x18200] =	vst v63  }
0xe8: {  	v3 =	vadd.s32 v1, v3  }
0xe9: {  	[tilespmem:s25], [sflag:$0x1] =	stream.indirect_vreg.gather [hbm4b:s5+s3], $0x80, v4, vm0, $0xb8;
	[tilespmem:$0x18200] =	vst v63  }
0xea: {  	_ = 	snop  }
0xeb: {  	[tilespmem:s26], [sflag:$0x1] =	stream.indirect_vreg.gather [hbm4b:s6+s3], $0x80, v4, vm0, $0xb8;
	[tilespmem:$0x18200] =	vst v63  }
0xec: {  	_ = 	snop  }
0xed: {  	[tilespmem:s28], [sflag:$0x1] =	stream.indirect_vreg.gather [hbm4b:s2+s3], $0x80, v3, vm0, $0xb8;
	[tilespmem:$0x18200] =	vst v63  }
0xee: {  	_ = 	snop  }
0xef: {  	[tilespmem:s29], [sflag:$0x1] =	stream.indirect_vreg.gather [hbm4b:s5+s3], $0x80, v3, vm0, $0xb8;
	[tilespmem:$0x18200] =	vst v63  }
0xf0: {  	_ = 	snop  }
0xf1: {  	[tilespmem:s30], [sflag:$0x1] =	stream.indirect_vreg.gather [hbm4b:s6+s3], $0x80, v3, vm0, $0xb8;
	[tilespmem:$0x18200] =	vst v63  }
0xf2: {  	v3 =	vld [tilespmem:$0x130];
	_ =	sdelay $0x4  }
0xf3: {  	v59 =	vshrl.u32 v3, $0x3  }
0xf4: {  	v4 =	vmul.u32 $0x30, v59  }
0xf5: {  	v3 =	vand.u32 $0x7, v3  }
0xf6: {  	v3 =	vor.u32 v3, v4  }
0xf7: {  	v4 =	vperm.xlane v3, v0;
	_ =	sdelay $0x1  }
0xf8: {  	v4 =	vadd.s32 v1, v4;
	_ =	sdelay $0x3  }
0xf9: {  	v3 =	vperm.xlane v3, v2  }
0xfa: {  	[tilespmem:s31], [sflag:$0x1] =	stream.indirect_vreg.gather [hbm4b:s2+s3], $0x80, v4, vm0, $0xb8;
	[tilespmem:$0x18200] =	vst v63  }
0xfb: {  	s12 =	simm.s32 $0x9A00;
	v3 =	vadd.s32 v1, v3  }
0xfc: {  	[tilespmem:s12], [sflag:$0x1] =	stream.indirect_vreg.gather [hbm4b:s5+s3], $0x80, v4, vm0, $0xb8;
	[tilespmem:$0x18200] =	vst v63  }
0xfd: {  	_ = 	snop  }
0xfe: {  	[tilespmem:s1], [sflag:$0x1] =	stream.indirect_vreg.gather [hbm4b:s6+s3], $0x80, v4, vm0, $0xb8;
	[tilespmem:$0x18200] =	vst v63  }
0xff: {  	_ = 	snop  }
0x100: {  	[tilespmem:s9], [sflag:$0x1] =	stream.indirect_vreg.gather [hbm4b:s2+s3], $0x80, v3, vm0, $0xb8;
	[tilespmem:$0x18200] =	vst v63  }
0x101: {  	s12 =	simm.s32 $0xB200  }
0x102: {  	[tilespmem:s12], [sflag:$0x1] =	stream.indirect_vreg.gather [hbm4b:s5+s3], $0x80, v3, vm0, $0xb8;
	[tilespmem:$0x18200] =	vst v63  }
0x103: {  	s1 =	simm.s32 $0x2  }
0x104: {  	[tilespmem:s10], [sflag:$0x1] =	stream.indirect_vreg.gather [hbm4b:s6+s3], $0x80, v3, vm0, $0xb8;
	[tilespmem:$0x18200] =	vst v63  }
0x105: {  	_ =	swait.ge [sflag:s1], $0xC000  }
0x106: {  	[sflag:s1] =	ssyncset.done $0x0  }
0x107: {  	s7 =	rddreg [dreg:$0x4];
	[sflag:s1] =	ssyncadd.s32 $0xFFFF4000  }
0x108: {  	[hbm4b:s7+s3] =	stream.linear.scatter [tilespmem:s11], [sflag:$0x3], $0xC000, $0x38;
	[tilespmem:$0x18200] =	vst v63  }
0x109: {  	_ =	swait.ge [sflag:s8], $0xC000  }
0x10a: {  	[sflag:s8] =	ssyncset.done $0x0  }
0x10b: {  	[sflag:s8] =	ssyncadd.s32 $0xFFFF4000  }
0x10c: {  	v3 =	vld [tilespmem:$0x180];
	_ =	sdelay $0x4  }
0x10d: {  	v60 =	vshrl.u32 v3, $0x3  }
0x10e: {  	v4 =	vmul.u32 $0x30, v60  }
0x10f: {  	v3 =	vand.u32 $0x7, v3  }
0x110: {  	v3 =	vor.u32 v3, v4  }
0x111: {  	v4 =	vperm.xlane v3, v0;
	_ =	sdelay $0x1  }
0x112: {  	v4 =	vadd.s32 v1, v4;
	_ =	sdelay $0x3  }
0x113: {  	v3 =	vperm.xlane v3, v2  }
0x114: {  	[tilespmem:s11], [sflag:$0x2] =	stream.indirect_vreg.gather [hbm4b:s2+s3], $0x80, v4, vm0, $0xb8;
	[tilespmem:$0x18200] =	vst v63  }
0x115: {  	s12 =	simm.s32 $0xCA00;
	v3 =	vadd.s32 v1, v3  }
0x116: {  	[tilespmem:s12], [sflag:$0x2] =	stream.indirect_vreg.gather [hbm4b:s5+s3], $0x80, v4, vm0, $0xb8;
	[tilespmem:$0x18200] =	vst v63  }
0x117: {  	s12 =	simm.s32 $0xD200  }
0x118: {  	[tilespmem:s12], [sflag:$0x2] =	stream.indirect_vreg.gather [hbm4b:s6+s3], $0x80, v4, vm0, $0xb8;
	[tilespmem:$0x18200] =	vst v63  }
0x119: {  	s12 =	simm.s32 $0xDA00  }
0x11a: {  	[tilespmem:s12], [sflag:$0x2] =	stream.indirect_vreg.gather [hbm4b:s2+s3], $0x80, v3, vm0, $0xb8;
	[tilespmem:$0x18200] =	vst v63  }
0x11b: {  	s12 =	simm.s32 $0xE200  }
0x11c: {  	[tilespmem:s12], [sflag:$0x2] =	stream.indirect_vreg.gather [hbm4b:s5+s3], $0x80, v3, vm0, $0xb8;
	[tilespmem:$0x18200] =	vst v63  }
0x11d: {  	s12 =	simm.s32 $0xEA00  }
0x11e: {  	[tilespmem:s12], [sflag:$0x2] =	stream.indirect_vreg.gather [hbm4b:s6+s3], $0x80, v3, vm0, $0xb8;
	[tilespmem:$0x18200] =	vst v63  }
0x11f: {  	v3 =	vld [tilespmem:$0x190];
	_ =	sdelay $0x4  }
0x120: {  	v61 =	vshrl.u32 v3, $0x3  }
0x121: {  	v4 =	vmul.u32 $0x30, v61  }
0x122: {  	v3 =	vand.u32 $0x7, v3  }
0x123: {  	v3 =	vor.u32 v3, v4  }
0x124: {  	v4 =	vperm.xlane v3, v0;
	_ =	sdelay $0x1  }
0x125: {  	v4 =	vadd.s32 v1, v4;
	_ =	sdelay $0x3  }
0x126: {  	s12 =	simm.s32 $0xF200;
	v3 =	vperm.xlane v3, v2  }
0x127: {  	[tilespmem:s12], [sflag:$0x2] =	stream.indirect_vreg.gather [hbm4b:s2+s3], $0x80, v4, vm0, $0xb8;
	[tilespmem:$0x18200] =	vst v63  }
0x128: {  	v3 =	vadd.s32 v1, v3;
	s12 =	simm.s32 $0xFA00  }
0x129: {  	[tilespmem:s12], [sflag:$0x2] =	stream.indirect_vreg.gather [hbm4b:s5+s3], $0x80, v4, vm0, $0xb8;
	[tilespmem:$0x18200] =	vst v63  }
0x12a: {  	s12 =	simm.s32 $0x10200  }
0x12b: {  	[tilespmem:s12], [sflag:$0x2] =	stream.indirect_vreg.gather [hbm4b:s6+s3], $0x80, v4, vm0, $0xb8;
	[tilespmem:$0x18200] =	vst v63  }
0x12c: {  	s12 =	simm.s32 $0x10A00  }
0x12d: {  	[tilespmem:s12], [sflag:$0x2] =	stream.indirect_vreg.gather [hbm4b:s2+s3], $0x80, v3, vm0, $0xb8;
	[tilespmem:$0x18200] =	vst v63  }
0x12e: {  	s12 =	simm.s32 $0x11200  }
0x12f: {  	[tilespmem:s12], [sflag:$0x2] =	stream.indirect_vreg.gather [hbm4b:s5+s3], $0x80, v3, vm0, $0xb8;
	[tilespmem:$0x18200] =	vst v63  }
0x130: {  	s12 =	simm.s32 $0x11A00  }
0x131: {  	[tilespmem:s12], [sflag:$0x2] =	stream.indirect_vreg.gather [hbm4b:s6+s3], $0x80, v3, vm0, $0xb8;
	[tilespmem:$0x18200] =	vst v63  }
0x132: {  	v3 =	vld [tilespmem:$0x1A0];
	_ =	sdelay $0x4  }
0x133: {  	v62 =	vshrl.u32 v3, $0x3  }
0x134: {  	v4 =	vmul.u32 $0x30, v62  }
0x135: {  	v3 =	vand.u32 $0x7, v3  }
0x136: {  	v3 =	vor.u32 v3, v4  }
0x137: {  	v4 =	vperm.xlane v3, v0;
	_ =	sdelay $0x1  }
0x138: {  	v4 =	vadd.s32 v1, v4;
	_ =	sdelay $0x3  }
0x139: {  	s12 =	simm.s32 $0x12200;
	v3 =	vperm.xlane v3, v2  }
0x13a: {  	[tilespmem:s12], [sflag:$0x2] =	stream.indirect_vreg.gather [hbm4b:s2+s3], $0x80, v4, vm0, $0xb8;
	[tilespmem:$0x18200] =	vst v63  }
0x13b: {  	v3 =	vadd.s32 v1, v3;
	s12 =	simm.s32 $0x12A00  }
0x13c: {  	[tilespmem:s12], [sflag:$0x2] =	stream.indirect_vreg.gather [hbm4b:s5+s3], $0x80, v4, vm0, $0xb8;
	[tilespmem:$0x18200] =	vst v63  }
0x13d: {  	s12 =	simm.s32 $0x13200  }
0x13e: {  	[tilespmem:s12], [sflag:$0x2] =	stream.indirect_vreg.gather [hbm4b:s6+s3], $0x80, v4, vm0, $0xb8;
	[tilespmem:$0x18200] =	vst v63  }
0x13f: {  	s12 =	simm.s32 $0x13A00  }
0x140: {  	[tilespmem:s12], [sflag:$0x2] =	stream.indirect_vreg.gather [hbm4b:s2+s3], $0x80, v3, vm0, $0xb8;
	[tilespmem:$0x18200] =	vst v63  }
0x141: {  	s12 =	simm.s32 $0x14200  }
0x142: {  	[tilespmem:s12], [sflag:$0x2] =	stream.indirect_vreg.gather [hbm4b:s5+s3], $0x80, v3, vm0, $0xb8;
	[tilespmem:$0x18200] =	vst v63  }
0x143: {  	s12 =	simm.s32 $0x14A00  }
0x144: {  	[tilespmem:s12], [sflag:$0x2] =	stream.indirect_vreg.gather [hbm4b:s6+s3], $0x80, v3, vm0, $0xb8;
	[tilespmem:$0x18200] =	vst v63  }
0x145: {  	v3 =	vld [tilespmem:$0x1B0];
	_ =	sdelay $0x4  }
0x146: {  	v63 =	vshrl.u32 v3, $0x3  }
0x147: {  	v4 =	vmul.u32 $0x30, v63  }
0x148: {  	v3 =	vand.u32 $0x7, v3  }
0x149: {  	v3 =	vor.u32 v3, v4  }
0x14a: {  	v4 =	vperm.xlane v3, v0;
	_ =	sdelay $0x1  }
0x14b: {  	v4 =	vadd.s32 v1, v4;
	_ =	sdelay $0x3  }
0x14c: {  	s12 =	simm.s32 $0x15200;
	v3 =	vperm.xlane v3, v2  }
0x14d: {  	[tilespmem:s12], [sflag:$0x2] =	stream.indirect_vreg.gather [hbm4b:s2+s3], $0x80, v4, vm0, $0xb8;
	[tilespmem:$0x18200] =	vst v63  }
0x14e: {  	v3 =	vadd.s32 v1, v3;
	s12 =	simm.s32 $0x15A00  }
0x14f: {  	[tilespmem:s12], [sflag:$0x2] =	stream.indirect_vreg.gather [hbm4b:s5+s3], $0x80, v4, vm0, $0xb8;
	[tilespmem:$0x18200] =	vst v63  }
0x150: {  	s12 =	simm.s32 $0x16200  }
0x151: {  	[tilespmem:s12], [sflag:$0x2] =	stream.indirect_vreg.gather [hbm4b:s6+s3], $0x80, v4, vm0, $0xb8;
	[tilespmem:$0x18200] =	vst v63  }
0x152: {  	s12 =	simm.s32 $0x16A00  }
0x153: {  	[tilespmem:s12], [sflag:$0x2] =	stream.indirect_vreg.gather [hbm4b:s2+s3], $0x80, v3, vm0, $0xb8;
	[tilespmem:$0x18200] =	vst v63  }
0x154: {  	s12 =	simm.s32 $0x17200  }
0x155: {  	[tilespmem:s12], [sflag:$0x2] =	stream.indirect_vreg.gather [hbm4b:s5+s3], $0x80, v3, vm0, $0xb8;
	[tilespmem:$0x18200] =	vst v63  }
0x156: {  	s12 =	simm.s32 $0x17A00  }
0x157: {  	[tilespmem:s12], [sflag:$0x2] =	stream.indirect_vreg.gather [hbm4b:s6+s3], $0x80, v3, vm0, $0xb8;
	[tilespmem:$0x18200] =	vst v63  }
0x158: {  	_ =	swait.ge [sflag:s0], $0xC000  }
0x159: {  	[sflag:s0] =	ssyncset.done $0x0  }
0x15a: {  	s7 =	simm.s32 $0x200;
	s12 =	rddreg [dreg:$0x5];
	[sflag:s0] =	ssyncadd.s32 $0xFFFF4000  }
0x15b: {  	[hbm4b:s12+s3] =	stream.linear.scatter [tilespmem:s7], [sflag:$0x3], $0xC000, $0x38;
	[tilespmem:$0x18200] =	vst v63  }
0x15c: {  	_ =	swait.ge [sflag:s8], $0xC000  }
0x15d: {  	[sflag:s8] =	ssyncset.done $0x0  }
0x15e: {  	[sflag:s8] =	ssyncadd.s32 $0xFFFF4000  }
0x15f: {  	_ =	swait.ge [sflag:s1], $0xC000  }
0x160: {  	p0 =	sne.s32 s4, $0x1;
	[sflag:s1] =	ssyncset.done $0x0  }
.Ltmp0:
0x161: {  	s7 =	rddreg [dreg:$0x6];
	[sflag:s1] =	ssyncadd.s32 $0xFFFF4000;
	(pc) =	sbr.rel @p0 .LBB2_1-.Ltmp0, $4  }
0x162: {  	[hbm4b:s7+s3] =	stream.linear.scatter [tilespmem:s11], [sflag:$0x3], $0xC000, $0x38;
	[tilespmem:$0x18200] =	vst v63  }
0x163: {  	_ =	swait.ge [sflag:s8], $0xC000  }
0x164: {  	[sflag:s8] =	ssyncset.done $0x0  }
0x165: {  	s4 =	sadd.s32 $0xFFFFFFFF, s4;
	[sflag:s8] =	ssyncadd.s32 $0xFFFF4000  }
0x166: {  	_ =	sfence.sel $0x180000  }
0x167: {  	[bflag:$0x0] =	sbarrier.arrive $0xFFFF  }
0x168: {  	_ =	strace $0x9000004A  }
0x169: {  	s0 =	stileid.u32;
	[bflag:$0x2] =	sbarrier.arrive $0xFFFF  }
0x16a: {  	p0 =	sne.s32 s0, $0x0;
	s0 =	rddreg [dreg:$0x2]  }
0x16b: {  	s0 =	sadd.s32 @!p0 $0x100000, s0  }
0x16c: {  	[sflag:s0] =	ssyncadd.tile.s32 @!p0 $0x1;
	_ =	shalt  }
.Lfunc_end2:
_tile_overlayer_lowered:
.L_overlay_start_2:
0x16d: {  	(tag) =	ssettag $0x2  }
0x16e: {  	s0 =	rddreg [dreg:$0x0];
	s2 =	stileid.u32  }
0x16f: {  	s1 =	rddreg [dreg:$0x1];
	p0 =	sne.s32 s2, $0x0  }
0x170: {  	s3 =	rddreg [dreg:$0x2];
	[bflag:$0x3] =	sbarrier.arrive $0xFFFF;
	s2 =	simm.s32 @!p0 $0x1C03  }
0x171: {  	[timem:s3], [sflag:s2] =	dma.local @!p0 [hbm:s0], s1  }
0x172: {  	s0 =	simm.s32 @!p0 $0x3  }
0x173: {  	_ =	swait.ge @!p0 [sflag:s0], s1  }
0x174: {  	s1 =	ssub.s32 @!p0 $0x0, s1;
	[sflag:s0] =	ssyncset.done @!p0 $0x0  }
0x175: {  	[sflag:s0] =	ssyncadd.s32 @!p0 s1  }
0x176: {  	[bflag:$0x3] =	sbarrier.arrive $0xFFFF  }
0x177: {  	_ =	shalt  }

</sc_bundles>
